<compile_context>
chip_gen: v7x
topology: tpu7x:2x2x1
jax: 0.10.2.dev20260603
libtpu: 0.0.44.dev20260713+nightly
codegen_flags: <defaults>
</compile_context>

<pallas_src>
import functools

import jax
import jax.numpy as jnp
from jax import lax
from jax.experimental import pallas as pl
from jax.experimental.pallas import tpu as pltpu
from jax.experimental.pallas import tpu_sc as plsc

_T_RANGE, _N_MCC, _N_CUR = 366, 1000, 60
_D_T, _D_MCC, _D_CUR = 32, 64, 16
_PROJ = 256
_PROJ_W = _PROJ // 2
_OFF_CUR = 1000
_OFF_TIME = 1064
_P_ROWS = 1432

_NC, _NS = 2, 16
_NW = _NC * _NS
_C = 80

_M_TC = 512
_N_TC = 133120


def _proj_body(time_ref, mcc_ref, cur_ref, w_ref, b_ref, out_ref):
    wm = w_ref[0:_D_MCC, :]
    wc = w_ref[_D_MCC:_D_MCC + _D_CUR, :]
    wt = w_ref[_D_MCC + _D_CUR:, :]
    out_ref[0:_OFF_CUR, :] = jnp.dot(
        mcc_ref[...], wm, preferred_element_type=jnp.float32)
    out_ref[_OFF_CUR:_OFF_TIME, :] = jnp.dot(
        cur_ref[...], wc, preferred_element_type=jnp.float32) + b_ref[...]
    out_ref[_OFF_TIME:_P_ROWS, :] = jnp.dot(
        time_ref[...], wt, preferred_element_type=jnp.float32)


def _project_tables(time_table, mcc_table, cur_table, W, b):
    time_pad = jnp.zeros((_P_ROWS - _OFF_TIME, _D_T), jnp.float32).at[:_T_RANGE].set(time_table)
    cur_pad = jnp.zeros((_OFF_TIME - _OFF_CUR, _D_CUR), jnp.float32).at[:_N_CUR].set(cur_table)
    return pl.pallas_call(
        _proj_body,
        out_shape=jax.ShapeDtypeStruct((_P_ROWS, _PROJ), jnp.float32),
    )(time_pad, mcc_table, cur_pad, W, b.reshape(1, _PROJ))


def _sc_body(n_sc, p_hbm, et_hbm, mc_hbm, cu_hbm, out_hbm,
             ei_v, mi_v, ci_v,
             im0, im1, ict0, ict1, gm0, gm1, g0, g1, o0, o1,
             sgm0, sgm1, sgc0, sgc1, so0, so1):
    per_w = n_sc // _NW
    n_chunks = per_w // _C
    n_pairs = n_chunks // 2
    wid = lax.axis_index("s") * _NC + lax.axis_index("c")
    wbase = wid * per_w

    im = (im0, im1)
    ict = (ict0, ict1)
    gm = (gm0, gm1)
    g = (g0, g1)
    o = (o0, o1)
    sgm = (sgm0, sgm1)
    sgc = (sgc0, sgc1)
    so = (so0, so1)

    pltpu.sync_copy(et_hbm.at[pl.ds(wbase, per_w)], ei_v)
    pltpu.sync_copy(mc_hbm.at[pl.ds(wbase, per_w)], mi_v)
    pltpu.sync_copy(cu_hbm.at[pl.ds(wbase, per_w)], ci_v)

    def build_idx(cc, b):
        base = cc * _C
        for j in range(_C // 16):
            src = pl.ds(base + j * 16, 16)
            dst = pl.ds(j * 16, 16)
            im[b][dst] = jnp.clip(mi_v[src], 0, _N_MCC - 1)
            ict[b][dst] = jnp.clip(ci_v[src], 0, _N_CUR - 1) + _OFF_CUR
            ict[b][pl.ds(_C + j * 16, 16)] = (
                jnp.clip(ei_v[src], 0, _T_RANGE - 1) + _OFF_TIME)

    def start_gathers(b):
        pltpu.make_async_copy(p_hbm.at[im[b]], gm[b], sgm[b]).start()
        pltpu.make_async_copy(p_hbm.at[ict[b]], g[b], sgc[b]).start()

    def wait_gathers(b):
        pltpu.make_async_copy(p_hbm.at[im[b]], gm[b], sgm[b]).wait()
        pltpu.make_async_copy(p_hbm.at[ict[b]], g[b], sgc[b]).wait()

    def accum(b):
        hi_mask = jnp.full((16,), -65536, jnp.int32)

        def expand(v):
            a = plsc.bitcast(lax.shift_left(v, 16), jnp.float32)
            c = plsc.bitcast(lax.bitwise_and(v, hi_mask), jnp.float32)
            return a, c

        def tb(t, carry):
            for k in range(_PROJ_W // 16):
                sl = pl.ds(k * 16, 16)
                ma, mb = expand(gm[b][t, sl])
                ca, cb = expand(g[b][t, sl])
                ta, tb2 = expand(g[b][_C + t, sl])
                o[b][t, pl.ds(k * 32, 16)] = ma + ca + ta
                o[b][t, pl.ds(k * 32 + 16, 16)] = mb + cb + tb2
            return carry
        lax.fori_loop(0, _C, tb, 0)

    def start_out(cc, b):
        pltpu.make_async_copy(
            o[b], out_hbm.at[pl.ds(wbase + cc * _C, _C)], so[b]).start()

    def wait_out(b):
        pltpu.make_async_copy(
            o[b], out_hbm.at[pl.ds(wbase, _C)], so[b]).wait()

    build_idx(0, 0)
    start_gathers(0)

    def pair(i, carry):
        build_idx(2 * i + 1, 1)
        start_gathers(1)
        wait_gathers(0)

        @pl.when(i > 0)
        def _():
            wait_out(0)
        accum(0)
        start_out(2 * i, 0)

        @pl.when(i < n_pairs - 1)
        def _():
            build_idx(2 * i + 2, 0)
            start_gathers(0)
        wait_gathers(1)

        @pl.when(i > 0)
        def _():
            wait_out(1)
        accum(1)
        start_out(2 * i + 1, 1)
        return carry

    lax.fori_loop(0, n_pairs, pair, 0)
    wait_out(0)
    wait_out(1)


def _oh_body(et_ref, mc_ref, cu_ref, pm_ref, pc_ref, pt_ref, out_ref):
    mcb = jnp.clip(mc_ref[0, 0, :], 0, _N_MCC - 1)
    cub = jnp.clip(cu_ref[0, 0, :], 0, _N_CUR - 1)
    etb = jnp.clip(et_ref[0, 0, :], 0, _T_RANGE - 1)
    oh_m = (mcb[:, None] == lax.broadcasted_iota(
        jnp.int32, (_M_TC, _OFF_CUR), 1)).astype(jnp.bfloat16)
    oh_c = (cub[:, None] == lax.broadcasted_iota(
        jnp.int32, (_M_TC, _OFF_TIME - _OFF_CUR), 1)).astype(jnp.bfloat16)
    oh_t = (etb[:, None] == lax.broadcasted_iota(
        jnp.int32, (_M_TC, _P_ROWS - _OFF_TIME), 1)).astype(jnp.bfloat16)
    acc = jnp.dot(oh_m, pm_ref[...], preferred_element_type=jnp.float32)
    acc += jnp.dot(oh_c, pc_ref[...], preferred_element_type=jnp.float32)
    acc += jnp.dot(oh_t, pt_ref[...], preferred_element_type=jnp.float32)
    out_ref[...] = acc


def _onehot_tc(P16, et, mc, cu, n_tokens):
    nb = _N_TC // _M_TC
    head_blocks = (n_tokens - _N_TC) // _M_TC
    idx3 = lambda a: a.reshape(nb, 1, _M_TC)
    iblock = pl.BlockSpec((1, 1, _M_TC), lambda bb: (bb, 0, 0))
    return pl.pallas_call(
        _oh_body,
        grid=(nb,),
        in_specs=[
            iblock, iblock, iblock,
            pl.BlockSpec((_OFF_CUR, _PROJ), lambda bb: (0, 0)),
            pl.BlockSpec((_OFF_TIME - _OFF_CUR, _PROJ), lambda bb: (0, 0)),
            pl.BlockSpec((_P_ROWS - _OFF_TIME, _PROJ), lambda bb: (0, 0)),
        ],
        out_specs=pl.BlockSpec((_M_TC, _PROJ),
                               lambda bb: (bb + head_blocks, 0)),
        out_shape=jax.ShapeDtypeStruct((n_tokens, _PROJ), jnp.float32),
    )(idx3(et), idx3(mc), idx3(cu),
      P16[0:_OFF_CUR], P16[_OFF_CUR:_OFF_TIME], P16[_OFF_TIME:_P_ROWS])


def _gather_sum(Pi, et, mc, cu, n_tokens, n_sc):
    per_w = n_sc // _NW
    mesh = plsc.VectorSubcoreMesh(
        core_axis_name="c", subcore_axis_name="s",
        num_cores=_NC, num_subcores=_NS)
    return pl.kernel(
        functools.partial(_sc_body, n_sc),
        out_type=jax.ShapeDtypeStruct((n_sc, _PROJ), jnp.float32),
        mesh=mesh,
        compiler_params=pltpu.CompilerParams(needs_layout_passes=False),
        scratch_types=[
            pltpu.VMEM((per_w,), jnp.int32),
            pltpu.VMEM((per_w,), jnp.int32),
            pltpu.VMEM((per_w,), jnp.int32),
            pltpu.VMEM((_C,), jnp.int32),
            pltpu.VMEM((_C,), jnp.int32),
            pltpu.VMEM((2 * _C,), jnp.int32),
            pltpu.VMEM((2 * _C,), jnp.int32),
            pltpu.VMEM((_C, _PROJ_W), jnp.int32),
            pltpu.VMEM((_C, _PROJ_W), jnp.int32),
            pltpu.VMEM((2 * _C, _PROJ_W), jnp.int32),
            pltpu.VMEM((2 * _C, _PROJ_W), jnp.int32),
            pltpu.VMEM((_C, _PROJ), jnp.float32),
            pltpu.VMEM((_C, _PROJ), jnp.float32),
            pltpu.SemaphoreType.DMA,
            pltpu.SemaphoreType.DMA,
            pltpu.SemaphoreType.DMA,
            pltpu.SemaphoreType.DMA,
            pltpu.SemaphoreType.DMA,
            pltpu.SemaphoreType.DMA,
        ],
    )(Pi, et, mc, cu)


def kernel(event_time, mcc_code, currency, seq_lens, time_table, mcc_table,
           cur_table, W, b):
    B, S = event_time.shape
    n_tokens = B * S
    P = _project_tables(time_table, mcc_table, cur_table, W, b)
    Pp = P.reshape(_P_ROWS, 8, 2, 16).transpose(0, 1, 3, 2).reshape(_P_ROWS, _PROJ)
    Pi = lax.bitcast_convert_type(
        Pp.astype(jnp.bfloat16).reshape(_P_ROWS, _PROJ_W, 2), jnp.int32)
    P16 = P.astype(jnp.bfloat16)
    et = event_time.reshape(n_tokens).astype(jnp.int32)
    mc = mcc_code.reshape(n_tokens).astype(jnp.int32)
    cu = currency.reshape(n_tokens).astype(jnp.int32)
    n_sc = n_tokens - _N_TC
    out_sc = _gather_sum(Pi, et, mc, cu, n_tokens, n_sc)
    out_tc = _onehot_tc(P16, et[n_sc:], mc[n_sc:], cu[n_sc:], n_tokens)
    out = lax.dynamic_update_slice(out_tc, out_sc, (0, 0))
    return out.reshape(B, S, _PROJ)

# --- scband reference (transcript-rebuilt; emitter-appended) ---
"""Pipeline reference for scband-universal-trx-encoder-81853486727835 (READ-ONLY COPY).

The authoritative reference and input builder live on the scoring server;
editing this copy changes nothing except your own understanding.
"""

import jax, jax.numpy as jnp
import numpy as np

B, S = 1024, 200
T_RANGE = 366
N_MCC = 1000
N_CUR = 60
D_T, D_MCC, D_CUR = 32, 64, 16
D_IN = D_MCC + D_CUR + D_T
PROJ = 256


def setup_inputs(seed: int = 0) -> dict:
    key = jax.random.key(seed)
    ks = jax.random.split(key, 9)
    event_time = jax.random.randint(ks[0], (B, S), 0, T_RANGE)
    mcc_code = jax.random.randint(ks[1], (B, S), 0, N_MCC)
    currency = jax.random.randint(ks[2], (B, S), 0, N_CUR)
    seq_lens = jax.random.randint(ks[3], (B,), 1, S + 1)
    time_table = jax.random.normal(ks[4], (T_RANGE, D_T), dtype=jnp.float32) * 0.02
    mcc_table = jax.random.normal(ks[5], (N_MCC, D_MCC), dtype=jnp.float32) * 0.02
    cur_table = jax.random.normal(ks[6], (N_CUR, D_CUR), dtype=jnp.float32) * 0.02
    W = jax.random.normal(ks[7], (D_IN, PROJ), dtype=jnp.float32) * 0.02
    b = jnp.zeros((PROJ,), dtype=jnp.float32)
    return {
        "event_time": event_time,
        "mcc_code": mcc_code,
        "currency": currency,
        "seq_lens": seq_lens,
        "time_table": time_table,
        "mcc_table": mcc_table,
        "cur_table": cur_table,
        "W": W,
        "b": b,
    }


def reference(event_time, mcc_code, currency, seq_lens, time_table, mcc_table, cur_table, W, b):
    # range checks / clamping, as in the torch forward
    et = jnp.clip(event_time, 0, T_RANGE - 1)
    mc = jnp.clip(mcc_code, 0, N_MCC - 1)
    cu = jnp.clip(currency, 0, N_CUR - 1)
    # UniversalFeatureEncoder: per-field embedding lookup + concat fusion
    e_m = jnp.take(mcc_table, mc, axis=0)     # [B, S, D_MCC]
    e_c = jnp.take(cur_table, cu, axis=0)     # [B, S, D_CUR]
    e_t = jnp.take(time_table, et, axis=0)    # [B, S, D_T]
    encoded = jnp.concatenate([e_m, e_c, e_t], axis=-1)  # [B, S, D_IN]
    # embeddings_noise == 0 -> no dropout; linear projection applied
    out = encoded @ W + b                      # [B, S, PROJ]
    # PaddedBatch(encoded, seq_lens) -> payload tensor is the output
    return out

if __name__ == "__main__":
    import jax
    _d = setup_inputs()
    print(jax.jit(kernel)(*tuple(_d.values())))

</pallas_src>

<mosaic_0001>
#map = affine_map<(d0, d1) -> (0, 0)>
#map1 = affine_map<(d0, d1) -> (0)>
module attributes {stable_mosaic.version = 14 : i64} {
  func.func @_sc_body(%arg0: i32, %arg1: i32, %arg2: memref<1432x128xi32, #tpu.memory_space<hbm>>, %arg3: memref<204800xi32, #tpu.memory_space<hbm>>, %arg4: memref<204800xi32, #tpu.memory_space<hbm>>, %arg5: memref<204800xi32, #tpu.memory_space<hbm>>, %arg6: memref<71680x256xf32, #tpu.memory_space<hbm>>, %arg7: memref<2240xi32, #tpu.memory_space<vmem>>, %arg8: memref<2240xi32, #tpu.memory_space<vmem>>, %arg9: memref<2240xi32, #tpu.memory_space<vmem>>, %arg10: memref<80xi32, #tpu.memory_space<vmem>>, %arg11: memref<80xi32, #tpu.memory_space<vmem>>, %arg12: memref<160xi32, #tpu.memory_space<vmem>>, %arg13: memref<160xi32, #tpu.memory_space<vmem>>, %arg14: memref<80x128xi32, #tpu.memory_space<vmem>>, %arg15: memref<80x128xi32, #tpu.memory_space<vmem>>, %arg16: memref<160x128xi32, #tpu.memory_space<vmem>>, %arg17: memref<160x128xi32, #tpu.memory_space<vmem>>, %arg18: memref<80x256xf32, #tpu.memory_space<vmem>>, %arg19: memref<80x256xf32, #tpu.memory_space<vmem>>, %arg20: memref<!tpu.dma_semaphore, #tpu.memory_space<semaphore_mem>>, %arg21: memref<!tpu.dma_semaphore, #tpu.memory_space<semaphore_mem>>, %arg22: memref<!tpu.dma_semaphore, #tpu.memory_space<semaphore_mem>>, %arg23: memref<!tpu.dma_semaphore, #tpu.memory_space<semaphore_mem>>, %arg24: memref<!tpu.dma_semaphore, #tpu.memory_space<semaphore_mem>>, %arg25: memref<!tpu.dma_semaphore, #tpu.memory_space<semaphore_mem>>) attributes {dimension_semantics = [#tpu.dimension_semantics<core_parallel>, #tpu.dimension_semantics<subcore_parallel>], iteration_bounds = array<i64: 2, 16>, scalar_prefetch = 0 : i64, scratch_operands = 19 : i64, tpu.core_type = #tpu.core_type<sc_vector_subcore>, window_params = [{transform_indices = #map}, {transform_indices = #map1}, {transform_indices = #map1}, {transform_indices = #map1}, {transform_indices = #map}]} {
    %mul3A = arith.constant 2 : i32
    %mul3A_0 = arith.muli %arg1, %mul3A : i32
    %add3A = arith.addi %mul3A_0, %arg0 : i32
    %mul3A_1 = arith.constant 2240 : i32
    %mul3A_2 = arith.muli %add3A, %mul3A_1 : i32
    "tpu.region"() ({
      %run_scoped3A = tpu.sem_alloc : memref<!tpu.dma_semaphore, #tpu.memory_space<semaphore_mem>>
      %dma_start3A_195 = tpu.memref_slice %arg3[%mul3A_2] : memref<204800xi32, #tpu.memory_space<hbm>> -> memref<2240xi32, #tpu.memory_space<hbm>>
      %dma_start3A_196 = tpu.memref_slice %arg3[%mul3A_2] : memref<204800xi32, #tpu.memory_space<hbm>> -> memref<2240xi32, #tpu.memory_space<hbm>>
      tpu.enqueue_dma source(%dma_start3A_196 : memref<2240xi32, #tpu.memory_space<hbm>>) target(%arg7 : memref<2240xi32, #tpu.memory_space<vmem>>) target_semaphore(%run_scoped3A : memref<!tpu.dma_semaphore, #tpu.memory_space<semaphore_mem>>)
      %dma_wait3A_197 = tpu.memref_slice %arg3[%mul3A_2] : memref<204800xi32, #tpu.memory_space<hbm>> -> memref<2240xi32, #tpu.memory_space<hbm>>
      %dma_wait3A_198 = tpu.memref_slice %arg3[%mul3A_2] : memref<204800xi32, #tpu.memory_space<hbm>> -> memref<2240xi32, #tpu.memory_space<hbm>>
      tpu.wait_dma2 semaphore(%run_scoped3A : memref<!tpu.dma_semaphore, #tpu.memory_space<semaphore_mem>>) src(%dma_wait3A_198 : memref<2240xi32, #tpu.memory_space<hbm>>) dst(%arg7 : memref<2240xi32, #tpu.memory_space<vmem>>)
      tpu.yield
    }) : () -> ()
    "tpu.region"() ({
      %run_scoped3A = tpu.sem_alloc : memref<!tpu.dma_semaphore, #tpu.memory_space<semaphore_mem>>
      %dma_start3A_195 = tpu.memref_slice %arg4[%mul3A_2] : memref<204800xi32, #tpu.memory_space<hbm>> -> memref<2240xi32, #tpu.memory_space<hbm>>
      %dma_start3A_196 = tpu.memref_slice %arg4[%mul3A_2] : memref<204800xi32, #tpu.memory_space<hbm>> -> memref<2240xi32, #tpu.memory_space<hbm>>
      tpu.enqueue_dma source(%dma_start3A_196 : memref<2240xi32, #tpu.memory_space<hbm>>) target(%arg8 : memref<2240xi32, #tpu.memory_space<vmem>>) target_semaphore(%run_scoped3A : memref<!tpu.dma_semaphore, #tpu.memory_space<semaphore_mem>>)
      %dma_wait3A_197 = tpu.memref_slice %arg4[%mul3A_2] : memref<204800xi32, #tpu.memory_space<hbm>> -> memref<2240xi32, #tpu.memory_space<hbm>>
      %dma_wait3A_198 = tpu.memref_slice %arg4[%mul3A_2] : memref<204800xi32, #tpu.memory_space<hbm>> -> memref<2240xi32, #tpu.memory_space<hbm>>
      tpu.wait_dma2 semaphore(%run_scoped3A : memref<!tpu.dma_semaphore, #tpu.memory_space<semaphore_mem>>) src(%dma_wait3A_198 : memref<2240xi32, #tpu.memory_space<hbm>>) dst(%arg8 : memref<2240xi32, #tpu.memory_space<vmem>>)
      tpu.yield
    }) : () -> ()
    "tpu.region"() ({
      %run_scoped3A = tpu.sem_alloc : memref<!tpu.dma_semaphore, #tpu.memory_space<semaphore_mem>>
      %dma_start3A_195 = tpu.memref_slice %arg5[%mul3A_2] : memref<204800xi32, #tpu.memory_space<hbm>> -> memref<2240xi32, #tpu.memory_space<hbm>>
      %dma_start3A_196 = tpu.memref_slice %arg5[%mul3A_2] : memref<204800xi32, #tpu.memory_space<hbm>> -> memref<2240xi32, #tpu.memory_space<hbm>>
      tpu.enqueue_dma source(%dma_start3A_196 : memref<2240xi32, #tpu.memory_space<hbm>>) target(%arg9 : memref<2240xi32, #tpu.memory_space<vmem>>) target_semaphore(%run_scoped3A : memref<!tpu.dma_semaphore, #tpu.memory_space<semaphore_mem>>)
      %dma_wait3A_197 = tpu.memref_slice %arg5[%mul3A_2] : memref<204800xi32, #tpu.memory_space<hbm>> -> memref<2240xi32, #tpu.memory_space<hbm>>
      %dma_wait3A_198 = tpu.memref_slice %arg5[%mul3A_2] : memref<204800xi32, #tpu.memory_space<hbm>> -> memref<2240xi32, #tpu.memory_space<hbm>>
      tpu.wait_dma2 semaphore(%run_scoped3A : memref<!tpu.dma_semaphore, #tpu.memory_space<semaphore_mem>>) src(%dma_wait3A_198 : memref<2240xi32, #tpu.memory_space<hbm>>) dst(%arg9 : memref<2240xi32, #tpu.memory_space<vmem>>)
      tpu.yield
    }) : () -> ()
    %get3A = arith.constant 0 : index
    %get3A_3 = tpu.vector_load %arg8[%get3A] {strides = array<i32>} : memref<2240xi32, #tpu.memory_space<vmem>>, vector<16xi32>,
    %jit3A = arith.constant 0 : i32
    %jit3A_4 = arith.constant 999 : i32
    %max3A = vector.broadcast %jit3A : i32 to vector<16xi32>
    %max3A_5 = arith.maxsi %max3A, %get3A_3 : vector<16xi32>
    %min3A = vector.broadcast %jit3A_4 : i32 to vector<16xi32>
    %min3A_6 = arith.minsi %min3A, %max3A_5 : vector<16xi32>
    %swap3A = arith.constant 0 : index
    %swap3A_7 = tpu.vector_load %arg10[%swap3A] {strides = array<i32>} : memref<80xi32, #tpu.memory_space<vmem>>, vector<16xi32>,
    tpu.vector_store %arg10[%swap3A], %min3A_6 {strides = array<i32>} : memref<80xi32, #tpu.memory_space<vmem>>, vector<16xi32>,
    %get3A_8 = arith.constant 0 : index
    %get3A_9 = tpu.vector_load %arg9[%get3A_8] {strides = array<i32>} : memref<2240xi32, #tpu.memory_space<vmem>>, vector<16xi32>,
    %jit3A_10 = arith.constant 0 : i32
    %jit3A_11 = arith.constant 59 : i32
    %max3A_12 = vector.broadcast %jit3A_10 : i32 to vector<16xi32>
    %max3A_13 = arith.maxsi %max3A_12, %get3A_9 : vector<16xi32>
    %min3A_14 = vector.broadcast %jit3A_11 : i32 to vector<16xi32>
    %min3A_15 = arith.minsi %min3A_14, %max3A_13 : vector<16xi32>
    %add3A_16 = arith.constant 1000 : i32
    %add3A_17 = vector.broadcast %add3A_16 : i32 to vector<16xi32>
    %add3A_18 = arith.addi %min3A_15, %add3A_17 : vector<16xi32>
    %swap3A_19 = arith.constant 0 : index
    %swap3A_20 = tpu.vector_load %arg12[%swap3A_19] {strides = array<i32>} : memref<160xi32, #tpu.memory_space<vmem>>, vector<16xi32>,
    tpu.vector_store %arg12[%swap3A_19], %add3A_18 {strides = array<i32>} : memref<160xi32, #tpu.memory_space<vmem>>, vector<16xi32>,
    %get3A_21 = arith.constant 0 : index
    %get3A_22 = tpu.vector_load %arg7[%get3A_21] {strides = array<i32>} : memref<2240xi32, #tpu.memory_space<vmem>>, vector<16xi32>,
    %jit3A_23 = arith.constant 0 : i32
    %jit3A_24 = arith.constant 365 : i32
    %max3A_25 = vector.broadcast %jit3A_23 : i32 to vector<16xi32>
    %max3A_26 = arith.maxsi %max3A_25, %get3A_22 : vector<16xi32>
    %min3A_27 = vector.broadcast %jit3A_24 : i32 to vector<16xi32>
    %min3A_28 = arith.minsi %min3A_27, %max3A_26 : vector<16xi32>
    %add3A_29 = arith.constant 1064 : i32
    %add3A_30 = vector.broadcast %add3A_29 : i32 to vector<16xi32>
    %add3A_31 = arith.addi %min3A_28, %add3A_30 : vector<16xi32>
    %swap3A_32 = arith.constant 80 : index
    %swap3A_33 = tpu.vector_load %arg12[%swap3A_32] {strides = array<i32>} : memref<160xi32, #tpu.memory_space<vmem>>, vector<16xi32>,
    tpu.vector_store %arg12[%swap3A_32], %add3A_31 {strides = array<i32>} : memref<160xi32, #tpu.memory_space<vmem>>, vector<16xi32>,
    %get3A_34 = arith.constant 16 : index
    %get3A_35 = tpu.vector_load %arg8[%get3A_34] {strides = array<i32>} : memref<2240xi32, #tpu.memory_space<vmem>>, vector<16xi32>,
    %jit3A_36 = arith.constant 0 : i32
    %jit3A_37 = arith.constant 999 : i32
    %max3A_38 = vector.broadcast %jit3A_36 : i32 to vector<16xi32>
    %max3A_39 = arith.maxsi %max3A_38, %get3A_35 : vector<16xi32>
    %min3A_40 = vector.broadcast %jit3A_37 : i32 to vector<16xi32>
    %min3A_41 = arith.minsi %min3A_40, %max3A_39 : vector<16xi32>
    %swap3A_42 = arith.constant 16 : index
    %swap3A_43 = tpu.vector_load %arg10[%swap3A_42] {strides = array<i32>} : memref<80xi32, #tpu.memory_space<vmem>>, vector<16xi32>,
    tpu.vector_store %arg10[%swap3A_42], %min3A_41 {strides = array<i32>} : memref<80xi32, #tpu.memory_space<vmem>>, vector<16xi32>,
    %get3A_44 = arith.constant 16 : index
    %get3A_45 = tpu.vector_load %arg9[%get3A_44] {strides = array<i32>} : memref<2240xi32, #tpu.memory_space<vmem>>, vector<16xi32>,
    %jit3A_46 = arith.constant 0 : i32
    %jit3A_47 = arith.constant 59 : i32
    %max3A_48 = vector.broadcast %jit3A_46 : i32 to vector<16xi32>
    %max3A_49 = arith.maxsi %max3A_48, %get3A_45 : vector<16xi32>
    %min3A_50 = vector.broadcast %jit3A_47 : i32 to vector<16xi32>
    %min3A_51 = arith.minsi %min3A_50, %max3A_49 : vector<16xi32>
    %add3A_52 = arith.constant 1000 : i32
    %add3A_53 = vector.broadcast %add3A_52 : i32 to vector<16xi32>
    %add3A_54 = arith.addi %min3A_51, %add3A_53 : vector<16xi32>
    %swap3A_55 = arith.constant 16 : index
    %swap3A_56 = tpu.vector_load %arg12[%swap3A_55] {strides = array<i32>} : memref<160xi32, #tpu.memory_space<vmem>>, vector<16xi32>,
    tpu.vector_store %arg12[%swap3A_55], %add3A_54 {strides = array<i32>} : memref<160xi32, #tpu.memory_space<vmem>>, vector<16xi32>,
    %get3A_57 = arith.constant 16 : index
    %get3A_58 = tpu.vector_load %arg7[%get3A_57] {strides = array<i32>} : memref<2240xi32, #tpu.memory_space<vmem>>, vector<16xi32>,
    %jit3A_59 = arith.constant 0 : i32
    %jit3A_60 = arith.constant 365 : i32
    %max3A_61 = vector.broadcast %jit3A_59 : i32 to vector<16xi32>
    %max3A_62 = arith.maxsi %max3A_61, %get3A_58 : vector<16xi32>
    %min3A_63 = vector.broadcast %jit3A_60 : i32 to vector<16xi32>
    %min3A_64 = arith.minsi %min3A_63, %max3A_62 : vector<16xi32>
    %add3A_65 = arith.constant 1064 : i32
    %add3A_66 = vector.broadcast %add3A_65 : i32 to vector<16xi32>
    %add3A_67 = arith.addi %min3A_64, %add3A_66 : vector<16xi32>
    %swap3A_68 = arith.constant 96 : index
    %swap3A_69 = tpu.vector_load %arg12[%swap3A_68] {strides = array<i32>} : memref<160xi32, #tpu.memory_space<vmem>>, vector<16xi32>,
    tpu.vector_store %arg12[%swap3A_68], %add3A_67 {strides = array<i32>} : memref<160xi32, #tpu.memory_space<vmem>>, vector<16xi32>,
    %get3A_70 = arith.constant 32 : index
    %get3A_71 = tpu.vector_load %arg8[%get3A_70] {strides = array<i32>} : memref<2240xi32, #tpu.memory_space<vmem>>, vector<16xi32>,
    %jit3A_72 = arith.constant 0 : i32
    %jit3A_73 = arith.constant 999 : i32
    %max3A_74 = vector.broadcast %jit3A_72 : i32 to vector<16xi32>
    %max3A_75 = arith.maxsi %max3A_74, %get3A_71 : vector<16xi32>
    %min3A_76 = vector.broadcast %jit3A_73 : i32 to vector<16xi32>
    %min3A_77 = arith.minsi %min3A_76, %max3A_75 : vector<16xi32>
    %swap3A_78 = arith.constant 32 : index
    %swap3A_79 = tpu.vector_load %arg10[%swap3A_78] {strides = array<i32>} : memref<80xi32, #tpu.memory_space<vmem>>, vector<16xi32>,
    tpu.vector_store %arg10[%swap3A_78], %min3A_77 {strides = array<i32>} : memref<80xi32, #tpu.memory_space<vmem>>, vector<16xi32>,
    %get3A_80 = arith.constant 32 : index
    %get3A_81 = tpu.vector_load %arg9[%get3A_80] {strides = array<i32>} : memref<2240xi32, #tpu.memory_space<vmem>>, vector<16xi32>,
    %jit3A_82 = arith.constant 0 : i32
    %jit3A_83 = arith.constant 59 : i32
    %max3A_84 = vector.broadcast %jit3A_82 : i32 to vector<16xi32>
    %max3A_85 = arith.maxsi %max3A_84, %get3A_81 : vector<16xi32>
    %min3A_86 = vector.broadcast %jit3A_83 : i32 to vector<16xi32>
    %min3A_87 = arith.minsi %min3A_86, %max3A_85 : vector<16xi32>
    %add3A_88 = arith.constant 1000 : i32
    %add3A_89 = vector.broadcast %add3A_88 : i32 to vector<16xi32>
    %add3A_90 = arith.addi %min3A_87, %add3A_89 : vector<16xi32>
    %swap3A_91 = arith.constant 32 : index
    %swap3A_92 = tpu.vector_load %arg12[%swap3A_91] {strides = array<i32>} : memref<160xi32, #tpu.memory_space<vmem>>, vector<16xi32>,
    tpu.vector_store %arg12[%swap3A_91], %add3A_90 {strides = array<i32>} : memref<160xi32, #tpu.memory_space<vmem>>, vector<16xi32>,
    %get3A_93 = arith.constant 32 : index
    %get3A_94 = tpu.vector_load %arg7[%get3A_93] {strides = array<i32>} : memref<2240xi32, #tpu.memory_space<vmem>>, vector<16xi32>,
    %jit3A_95 = arith.constant 0 : i32
    %jit3A_96 = arith.constant 365 : i32
    %max3A_97 = vector.broadcast %jit3A_95 : i32 to vector<16xi32>
    %max3A_98 = arith.maxsi %max3A_97, %get3A_94 : vector<16xi32>
    %min3A_99 = vector.broadcast %jit3A_96 : i32 to vector<16xi32>
    %min3A_100 = arith.minsi %min3A_99, %max3A_98 : vector<16xi32>
    %add3A_101 = arith.constant 1064 : i32
    %add3A_102 = vector.broadcast %add3A_101 : i32 to vector<16xi32>
    %add3A_103 = arith.addi %min3A_100, %add3A_102 : vector<16xi32>
    %swap3A_104 = arith.constant 112 : index
    %swap3A_105 = tpu.vector_load %arg12[%swap3A_104] {strides = array<i32>} : memref<160xi32, #tpu.memory_space<vmem>>, vector<16xi32>,
    tpu.vector_store %arg12[%swap3A_104], %add3A_103 {strides = array<i32>} : memref<160xi32, #tpu.memory_space<vmem>>, vector<16xi32>,
    %get3A_106 = arith.constant 48 : index
    %get3A_107 = tpu.vector_load %arg8[%get3A_106] {strides = array<i32>} : memref<2240xi32, #tpu.memory_space<vmem>>, vector<16xi32>,
    %jit3A_108 = arith.constant 0 : i32
    %jit3A_109 = arith.constant 999 : i32
    %max3A_110 = vector.broadcast %jit3A_108 : i32 to vector<16xi32>
    %max3A_111 = arith.maxsi %max3A_110, %get3A_107 : vector<16xi32>
    %min3A_112 = vector.broadcast %jit3A_109 : i32 to vector<16xi32>
    %min3A_113 = arith.minsi %min3A_112, %max3A_111 : vector<16xi32>
    %swap3A_114 = arith.constant 48 : index
    %swap3A_115 = tpu.vector_load %arg10[%swap3A_114] {strides = array<i32>} : memref<80xi32, #tpu.memory_space<vmem>>, vector<16xi32>,
    tpu.vector_store %arg10[%swap3A_114], %min3A_113 {strides = array<i32>} : memref<80xi32, #tpu.memory_space<vmem>>, vector<16xi32>,
    %get3A_116 = arith.constant 48 : index
    %get3A_117 = tpu.vector_load %arg9[%get3A_116] {strides = array<i32>} : memref<2240xi32, #tpu.memory_space<vmem>>, vector<16xi32>,
    %jit3A_118 = arith.constant 0 : i32
    %jit3A_119 = arith.constant 59 : i32
    %max3A_120 = vector.broadcast %jit3A_118 : i32 to vector<16xi32>
    %max3A_121 = arith.maxsi %max3A_120, %get3A_117 : vector<16xi32>
    %min3A_122 = vector.broadcast %jit3A_119 : i32 to vector<16xi32>
    %min3A_123 = arith.minsi %min3A_122, %max3A_121 : vector<16xi32>
    %add3A_124 = arith.constant 1000 : i32
    %add3A_125 = vector.broadcast %add3A_124 : i32 to vector<16xi32>
    %add3A_126 = arith.addi %min3A_123, %add3A_125 : vector<16xi32>
    %swap3A_127 = arith.constant 48 : index
    %swap3A_128 = tpu.vector_load %arg12[%swap3A_127] {strides = array<i32>} : memref<160xi32, #tpu.memory_space<vmem>>, vector<16xi32>,
    tpu.vector_store %arg12[%swap3A_127], %add3A_126 {strides = array<i32>} : memref<160xi32, #tpu.memory_space<vmem>>, vector<16xi32>,
    %get3A_129 = arith.constant 48 : index
    %get3A_130 = tpu.vector_load %arg7[%get3A_129] {strides = array<i32>} : memref<2240xi32, #tpu.memory_space<vmem>>, vector<16xi32>,
    %jit3A_131 = arith.constant 0 : i32
    %jit3A_132 = arith.constant 365 : i32
    %max3A_133 = vector.broadcast %jit3A_131 : i32 to vector<16xi32>
    %max3A_134 = arith.maxsi %max3A_133, %get3A_130 : vector<16xi32>
    %min3A_135 = vector.broadcast %jit3A_132 : i32 to vector<16xi32>
    %min3A_136 = arith.minsi %min3A_135, %max3A_134 : vector<16xi32>
    %add3A_137 = arith.constant 1064 : i32
    %add3A_138 = vector.broadcast %add3A_137 : i32 to vector<16xi32>
    %add3A_139 = arith.addi %min3A_136, %add3A_138 : vector<16xi32>
    %swap3A_140 = arith.constant 128 : index
    %swap3A_141 = tpu.vector_load %arg12[%swap3A_140] {strides = array<i32>} : memref<160xi32, #tpu.memory_space<vmem>>, vector<16xi32>,
    tpu.vector_store %arg12[%swap3A_140], %add3A_139 {strides = array<i32>} : memref<160xi32, #tpu.memory_space<vmem>>, vector<16xi32>,
    %get3A_142 = arith.constant 64 : index
    %get3A_143 = tpu.vector_load %arg8[%get3A_142] {strides = array<i32>} : memref<2240xi32, #tpu.memory_space<vmem>>, vector<16xi32>,
    %jit3A_144 = arith.constant 0 : i32
    %jit3A_145 = arith.constant 999 : i32
    %max3A_146 = vector.broadcast %jit3A_144 : i32 to vector<16xi32>
    %max3A_147 = arith.maxsi %max3A_146, %get3A_143 : vector<16xi32>
    %min3A_148 = vector.broadcast %jit3A_145 : i32 to vector<16xi32>
    %min3A_149 = arith.minsi %min3A_148, %max3A_147 : vector<16xi32>
    %swap3A_150 = arith.constant 64 : index
    %swap3A_151 = tpu.vector_load %arg10[%swap3A_150] {strides = array<i32>} : memref<80xi32, #tpu.memory_space<vmem>>, vector<16xi32>,
    tpu.vector_store %arg10[%swap3A_150], %min3A_149 {strides = array<i32>} : memref<80xi32, #tpu.memory_space<vmem>>, vector<16xi32>,
    %get3A_152 = arith.constant 64 : index
    %get3A_153 = tpu.vector_load %arg9[%get3A_152] {strides = array<i32>} : memref<2240xi32, #tpu.memory_space<vmem>>, vector<16xi32>,
    %jit3A_154 = arith.constant 0 : i32
    %jit3A_155 = arith.constant 59 : i32
    %max3A_156 = vector.broadcast %jit3A_154 : i32 to vector<16xi32>
    %max3A_157 = arith.maxsi %max3A_156, %get3A_153 : vector<16xi32>
    %min3A_158 = vector.broadcast %jit3A_155 : i32 to vector<16xi32>
    %min3A_159 = arith.minsi %min3A_158, %max3A_157 : vector<16xi32>
    %add3A_160 = arith.constant 1000 : i32
    %add3A_161 = vector.broadcast %add3A_160 : i32 to vector<16xi32>
    %add3A_162 = arith.addi %min3A_159, %add3A_161 : vector<16xi32>
    %swap3A_163 = arith.constant 64 : index
    %swap3A_164 = tpu.vector_load %arg12[%swap3A_163] {strides = array<i32>} : memref<160xi32, #tpu.memory_space<vmem>>, vector<16xi32>,
    tpu.vector_store %arg12[%swap3A_163], %add3A_162 {strides = array<i32>} : memref<160xi32, #tpu.memory_space<vmem>>, vector<16xi32>,
    %get3A_165 = arith.constant 64 : index
    %get3A_166 = tpu.vector_load %arg7[%get3A_165] {strides = array<i32>} : memref<2240xi32, #tpu.memory_space<vmem>>, vector<16xi32>,
    %jit3A_167 = arith.constant 0 : i32
    %jit3A_168 = arith.constant 365 : i32
    %max3A_169 = vector.broadcast %jit3A_167 : i32 to vector<16xi32>
    %max3A_170 = arith.maxsi %max3A_169, %get3A_166 : vector<16xi32>
    %min3A_171 = vector.broadcast %jit3A_168 : i32 to vector<16xi32>
    %min3A_172 = arith.minsi %min3A_171, %max3A_170 : vector<16xi32>
    %add3A_173 = arith.constant 1064 : i32
    %add3A_174 = vector.broadcast %add3A_173 : i32 to vector<16xi32>
    %add3A_175 = arith.addi %min3A_172, %add3A_174 : vector<16xi32>
    %swap3A_176 = arith.constant 144 : index
    %swap3A_177 = tpu.vector_load %arg12[%swap3A_176] {strides = array<i32>} : memref<160xi32, #tpu.memory_space<vmem>>, vector<16xi32>,
    tpu.vector_store %arg12[%swap3A_176], %add3A_175 {strides = array<i32>} : memref<160xi32, #tpu.memory_space<vmem>>, vector<16xi32>,
    %dma_start3A = arith.constant 0 : i32
    %dma_start3A_178 = arith.constant 0 : i32
    %dma_start3A_179 = tpu.memref_slice %arg2[%dma_start3A, %dma_start3A_178] : memref<1432x128xi32, #tpu.memory_space<hbm>> -> memref<1432x128xi32, #tpu.memory_space<hbm>>
    tpu.enqueue_indirect_dma source(%dma_start3A_179 : memref<1432x128xi32, #tpu.memory_space<hbm>>) target(%arg14 : memref<80x128xi32, #tpu.memory_space<vmem>>) offsets(%arg10 : memref<80xi32, #tpu.memory_space<vmem>>) semaphore(%arg20 : memref<!tpu.dma_semaphore, #tpu.memory_space<semaphore_mem>>)
    %dma_start3A_180 = arith.constant 0 : i32
    %dma_start3A_181 = arith.constant 0 : i32
    %dma_start3A_182 = tpu.memref_slice %arg2[%dma_start3A_180, %dma_start3A_181] : memref<1432x128xi32, #tpu.memory_space<hbm>> -> memref<1432x128xi32, #tpu.memory_space<hbm>>
    tpu.enqueue_indirect_dma source(%dma_start3A_182 : memref<1432x128xi32, #tpu.memory_space<hbm>>) target(%arg16 : memref<160x128xi32, #tpu.memory_space<vmem>>) offsets(%arg12 : memref<160xi32, #tpu.memory_space<vmem>>) semaphore(%arg22 : memref<!tpu.dma_semaphore, #tpu.memory_space<semaphore_mem>>)
    %scan3A = arith.constant 0 : i32
    %scan3A_183 = arith.constant 0 : i32
    %scan3A_184 = arith.constant 14 : i32
    %scan3A_185 = arith.addi %scan3A_183, %scan3A_184 : i32
    %scan3A_186 = arith.constant 1 : i32
    scf.for %scan3A_195 = %scan3A_183 to %scan3A_185 step %scan3A_186  : i32 {
      %mul3A_196 = arith.constant 2 : i32
      %mul3A_197 = arith.muli %mul3A_196, %scan3A_195 : i32
      %add3A_198 = arith.constant 1 : i32
      %add3A_199 = arith.addi %mul3A_197, %add3A_198 : i32
      %mul3A_200 = arith.constant 80 : i32
      %mul3A_201 = arith.muli %add3A_199, %mul3A_200 : i32
      %add3A_202 = arith.constant 0 : i32
      %add3A_203 = arith.addi %mul3A_201, %add3A_202 : i32
      %get3A_204 = arith.index_cast %add3A_203 : i32 to index
      %get3A_205 = tpu.vector_load %arg8[%get3A_204] {strides = array<i32>} : memref<2240xi32, #tpu.memory_space<vmem>>, vector<16xi32>,
      %jit3A_206 = arith.constant 0 : i32
      %jit3A_207 = arith.constant 999 : i32
      %max3A_208 = vector.broadcast %jit3A_206 : i32 to vector<16xi32>
      %max3A_209 = arith.maxsi %max3A_208, %get3A_205 : vector<16xi32>
      %min3A_210 = vector.broadcast %jit3A_207 : i32 to vector<16xi32>
      %min3A_211 = arith.minsi %min3A_210, %max3A_209 : vector<16xi32>
      %swap3A_212 = arith.constant 0 : index
      %swap3A_213 = tpu.vector_load %arg11[%swap3A_212] {strides = array<i32>} : memref<80xi32, #tpu.memory_space<vmem>>, vector<16xi32>,
      tpu.vector_store %arg11[%swap3A_212], %min3A_211 {strides = array<i32>} : memref<80xi32, #tpu.memory_space<vmem>>, vector<16xi32>,
      %get3A_214 = arith.index_cast %add3A_203 : i32 to index
      %get3A_215 = tpu.vector_load %arg9[%get3A_214] {strides = array<i32>} : memref<2240xi32, #tpu.memory_space<vmem>>, vector<16xi32>,
      %jit3A_216 = arith.constant 0 : i32
      %jit3A_217 = arith.constant 59 : i32
      %max3A_218 = vector.broadcast %jit3A_216 : i32 to vector<16xi32>
      %max3A_219 = arith.maxsi %max3A_218, %get3A_215 : vector<16xi32>
      %min3A_220 = vector.broadcast %jit3A_217 : i32 to vector<16xi32>
      %min3A_221 = arith.minsi %min3A_220, %max3A_219 : vector<16xi32>
      %add3A_222 = arith.constant 1000 : i32
      %add3A_223 = vector.broadcast %add3A_222 : i32 to vector<16xi32>
      %add3A_224 = arith.addi %min3A_221, %add3A_223 : vector<16xi32>
      %swap3A_225 = arith.constant 0 : index
      %swap3A_226 = tpu.vector_load %arg13[%swap3A_225] {strides = array<i32>} : memref<160xi32, #tpu.memory_space<vmem>>, vector<16xi32>,
      tpu.vector_store %arg13[%swap3A_225], %add3A_224 {strides = array<i32>} : memref<160xi32, #tpu.memory_space<vmem>>, vector<16xi32>,
      %get3A_227 = arith.index_cast %add3A_203 : i32 to index
      %get3A_228 = tpu.vector_load %arg7[%get3A_227] {strides = array<i32>} : memref<2240xi32, #tpu.memory_space<vmem>>, vector<16xi32>,
      %jit3A_229 = arith.constant 0 : i32
      %jit3A_230 = arith.constant 365 : i32
      %max3A_231 = vector.broadcast %jit3A_229 : i32 to vector<16xi32>
      %max3A_232 = arith.maxsi %max3A_231, %get3A_228 : vector<16xi32>
      %min3A_233 = vector.broadcast %jit3A_230 : i32 to vector<16xi32>
      %min3A_234 = arith.minsi %min3A_233, %max3A_232 : vector<16xi32>
      %add3A_235 = arith.constant 1064 : i32
      %add3A_236 = vector.broadcast %add3A_235 : i32 to vector<16xi32>
      %add3A_237 = arith.addi %min3A_234, %add3A_236 : vector<16xi32>
      %swap3A_238 = arith.constant 80 : index
      %swap3A_239 = tpu.vector_load %arg13[%swap3A_238] {strides = array<i32>} : memref<160xi32, #tpu.memory_space<vmem>>, vector<16xi32>,
      tpu.vector_store %arg13[%swap3A_238], %add3A_237 {strides = array<i32>} : memref<160xi32, #tpu.memory_space<vmem>>, vector<16xi32>,
      %add3A_240 = arith.constant 16 : i32
      %add3A_241 = arith.addi %mul3A_201, %add3A_240 : i32
      %get3A_242 = arith.index_cast %add3A_241 : i32 to index
      %get3A_243 = tpu.vector_load %arg8[%get3A_242] {strides = array<i32>} : memref<2240xi32, #tpu.memory_space<vmem>>, vector<16xi32>,
      %jit3A_244 = arith.constant 0 : i32
      %jit3A_245 = arith.constant 999 : i32
      %max3A_246 = vector.broadcast %jit3A_244 : i32 to vector<16xi32>
      %max3A_247 = arith.maxsi %max3A_246, %get3A_243 : vector<16xi32>
      %min3A_248 = vector.broadcast %jit3A_245 : i32 to vector<16xi32>
      %min3A_249 = arith.minsi %min3A_248, %max3A_247 : vector<16xi32>
      %swap3A_250 = arith.constant 16 : index
      %swap3A_251 = tpu.vector_load %arg11[%swap3A_250] {strides = array<i32>} : memref<80xi32, #tpu.memory_space<vmem>>, vector<16xi32>,
      tpu.vector_store %arg11[%swap3A_250], %min3A_249 {strides = array<i32>} : memref<80xi32, #tpu.memory_space<vmem>>, vector<16xi32>,
      %get3A_252 = arith.index_cast %add3A_241 : i32 to index
      %get3A_253 = tpu.vector_load %arg9[%get3A_252] {strides = array<i32>} : memref<2240xi32, #tpu.memory_space<vmem>>, vector<16xi32>,
      %jit3A_254 = arith.constant 0 : i32
      %jit3A_255 = arith.constant 59 : i32
      %max3A_256 = vector.broadcast %jit3A_254 : i32 to vector<16xi32>
      %max3A_257 = arith.maxsi %max3A_256, %get3A_253 : vector<16xi32>
      %min3A_258 = vector.broadcast %jit3A_255 : i32 to vector<16xi32>
      %min3A_259 = arith.minsi %min3A_258, %max3A_257 : vector<16xi32>
      %add3A_260 = arith.constant 1000 : i32
      %add3A_261 = vector.broadcast %add3A_260 : i32 to vector<16xi32>
      %add3A_262 = arith.addi %min3A_259, %add3A_261 : vector<16xi32>
      %swap3A_263 = arith.constant 16 : index
      %swap3A_264 = tpu.vector_load %arg13[%swap3A_263] {strides = array<i32>} : memref<160xi32, #tpu.memory_space<vmem>>, vector<16xi32>,
      tpu.vector_store %arg13[%swap3A_263], %add3A_262 {strides = array<i32>} : memref<160xi32, #tpu.memory_space<vmem>>, vector<16xi32>,
      %get3A_265 = arith.index_cast %add3A_241 : i32 to index
      %get3A_266 = tpu.vector_load %arg7[%get3A_265] {strides = array<i32>} : memref<2240xi32, #tpu.memory_space<vmem>>, vector<16xi32>,
      %jit3A_267 = arith.constant 0 : i32
      %jit3A_268 = arith.constant 365 : i32
      %max3A_269 = vector.broadcast %jit3A_267 : i32 to vector<16xi32>
      %max3A_270 = arith.maxsi %max3A_269, %get3A_266 : vector<16xi32>
      %min3A_271 = vector.broadcast %jit3A_268 : i32 to vector<16xi32>
      %min3A_272 = arith.minsi %min3A_271, %max3A_270 : vector<16xi32>
      %add3A_273 = arith.constant 1064 : i32
      %add3A_274 = vector.broadcast %add3A_273 : i32 to vector<16xi32>
      %add3A_275 = arith.addi %min3A_272, %add3A_274 : vector<16xi32>
      %swap3A_276 = arith.constant 96 : index
      %swap3A_277 = tpu.vector_load %arg13[%swap3A_276] {strides = array<i32>} : memref<160xi32, #tpu.memory_space<vmem>>, vector<16xi32>,
      tpu.vector_store %arg13[%swap3A_276], %add3A_275 {strides = array<i32>} : memref<160xi32, #tpu.memory_space<vmem>>, vector<16xi32>,
      %add3A_278 = arith.constant 32 : i32
      %add3A_279 = arith.addi %mul3A_201, %add3A_278 : i32
      %get3A_280 = arith.index_cast %add3A_279 : i32 to index
      %get3A_281 = tpu.vector_load %arg8[%get3A_280] {strides = array<i32>} : memref<2240xi32, #tpu.memory_space<vmem>>, vector<16xi32>,
      %jit3A_282 = arith.constant 0 : i32
      %jit3A_283 = arith.constant 999 : i32
      %max3A_284 = vector.broadcast %jit3A_282 : i32 to vector<16xi32>
      %max3A_285 = arith.maxsi %max3A_284, %get3A_281 : vector<16xi32>
      %min3A_286 = vector.broadcast %jit3A_283 : i32 to vector<16xi32>
      %min3A_287 = arith.minsi %min3A_286, %max3A_285 : vector<16xi32>
      %swap3A_288 = arith.constant 32 : index
      %swap3A_289 = tpu.vector_load %arg11[%swap3A_288] {strides = array<i32>} : memref<80xi32, #tpu.memory_space<vmem>>, vector<16xi32>,
      tpu.vector_store %arg11[%swap3A_288], %min3A_287 {strides = array<i32>} : memref<80xi32, #tpu.memory_space<vmem>>, vector<16xi32>,
      %get3A_290 = arith.index_cast %add3A_279 : i32 to index
      %get3A_291 = tpu.vector_load %arg9[%get3A_290] {strides = array<i32>} : memref<2240xi32, #tpu.memory_space<vmem>>, vector<16xi32>,
      %jit3A_292 = arith.constant 0 : i32
      %jit3A_293 = arith.constant 59 : i32
      %max3A_294 = vector.broadcast %jit3A_292 : i32 to vector<16xi32>
      %max3A_295 = arith.maxsi %max3A_294, %get3A_291 : vector<16xi32>
      %min3A_296 = vector.broadcast %jit3A_293 : i32 to vector<16xi32>
      %min3A_297 = arith.minsi %min3A_296, %max3A_295 : vector<16xi32>
      %add3A_298 = arith.constant 1000 : i32
      %add3A_299 = vector.broadcast %add3A_298 : i32 to vector<16xi32>
      %add3A_300 = arith.addi %min3A_297, %add3A_299 : vector<16xi32>
      %swap3A_301 = arith.constant 32 : index
      %swap3A_302 = tpu.vector_load %arg13[%swap3A_301] {strides = array<i32>} : memref<160xi32, #tpu.memory_space<vmem>>, vector<16xi32>,
      tpu.vector_store %arg13[%swap3A_301], %add3A_300 {strides = array<i32>} : memref<160xi32, #tpu.memory_space<vmem>>, vector<16xi32>,
      %get3A_303 = arith.index_cast %add3A_279 : i32 to index
      %get3A_304 = tpu.vector_load %arg7[%get3A_303] {strides = array<i32>} : memref<2240xi32, #tpu.memory_space<vmem>>, vector<16xi32>,
      %jit3A_305 = arith.constant 0 : i32
      %jit3A_306 = arith.constant 365 : i32
      %max3A_307 = vector.broadcast %jit3A_305 : i32 to vector<16xi32>
      %max3A_308 = arith.maxsi %max3A_307, %get3A_304 : vector<16xi32>
      %min3A_309 = vector.broadcast %jit3A_306 : i32 to vector<16xi32>
      %min3A_310 = arith.minsi %min3A_309, %max3A_308 : vector<16xi32>
      %add3A_311 = arith.constant 1064 : i32
      %add3A_312 = vector.broadcast %add3A_311 : i32 to vector<16xi32>
      %add3A_313 = arith.addi %min3A_310, %add3A_312 : vector<16xi32>
      %swap3A_314 = arith.constant 112 : index
      %swap3A_315 = tpu.vector_load %arg13[%swap3A_314] {strides = array<i32>} : memref<160xi32, #tpu.memory_space<vmem>>, vector<16xi32>,
      tpu.vector_store %arg13[%swap3A_314], %add3A_313 {strides = array<i32>} : memref<160xi32, #tpu.memory_space<vmem>>, vector<16xi32>,
      %add3A_316 = arith.constant 48 : i32
      %add3A_317 = arith.addi %mul3A_201, %add3A_316 : i32
      %get3A_318 = arith.index_cast %add3A_317 : i32 to index
      %get3A_319 = tpu.vector_load %arg8[%get3A_318] {strides = array<i32>} : memref<2240xi32, #tpu.memory_space<vmem>>, vector<16xi32>,
      %jit3A_320 = arith.constant 0 : i32
      %jit3A_321 = arith.constant 999 : i32
      %max3A_322 = vector.broadcast %jit3A_320 : i32 to vector<16xi32>
      %max3A_323 = arith.maxsi %max3A_322, %get3A_319 : vector<16xi32>
      %min3A_324 = vector.broadcast %jit3A_321 : i32 to vector<16xi32>
      %min3A_325 = arith.minsi %min3A_324, %max3A_323 : vector<16xi32>
      %swap3A_326 = arith.constant 48 : index
      %swap3A_327 = tpu.vector_load %arg11[%swap3A_326] {strides = array<i32>} : memref<80xi32, #tpu.memory_space<vmem>>, vector<16xi32>,
      tpu.vector_store %arg11[%swap3A_326], %min3A_325 {strides = array<i32>} : memref<80xi32, #tpu.memory_space<vmem>>, vector<16xi32>,
      %get3A_328 = arith.index_cast %add3A_317 : i32 to index
      %get3A_329 = tpu.vector_load %arg9[%get3A_328] {strides = array<i32>} : memref<2240xi32, #tpu.memory_space<vmem>>, vector<16xi32>,
      %jit3A_330 = arith.constant 0 : i32
      %jit3A_331 = arith.constant 59 : i32
      %max3A_332 = vector.broadcast %jit3A_330 : i32 to vector<16xi32>
      %max3A_333 = arith.maxsi %max3A_332, %get3A_329 : vector<16xi32>
      %min3A_334 = vector.broadcast %jit3A_331 : i32 to vector<16xi32>
      %min3A_335 = arith.minsi %min3A_334, %max3A_333 : vector<16xi32>
      %add3A_336 = arith.constant 1000 : i32
      %add3A_337 = vector.broadcast %add3A_336 : i32 to vector<16xi32>
      %add3A_338 = arith.addi %min3A_335, %add3A_337 : vector<16xi32>
      %swap3A_339 = arith.constant 48 : index
      %swap3A_340 = tpu.vector_load %arg13[%swap3A_339] {strides = array<i32>} : memref<160xi32, #tpu.memory_space<vmem>>, vector<16xi32>,
      tpu.vector_store %arg13[%swap3A_339], %add3A_338 {strides = array<i32>} : memref<160xi32, #tpu.memory_space<vmem>>, vector<16xi32>,
      %get3A_341 = arith.index_cast %add3A_317 : i32 to index
      %get3A_342 = tpu.vector_load %arg7[%get3A_341] {strides = array<i32>} : memref<2240xi32, #tpu.memory_space<vmem>>, vector<16xi32>,
      %jit3A_343 = arith.constant 0 : i32
      %jit3A_344 = arith.constant 365 : i32
      %max3A_345 = vector.broadcast %jit3A_343 : i32 to vector<16xi32>
      %max3A_346 = arith.maxsi %max3A_345, %get3A_342 : vector<16xi32>
      %min3A_347 = vector.broadcast %jit3A_344 : i32 to vector<16xi32>
      %min3A_348 = arith.minsi %min3A_347, %max3A_346 : vector<16xi32>
      %add3A_349 = arith.constant 1064 : i32
      %add3A_350 = vector.broadcast %add3A_349 : i32 to vector<16xi32>
      %add3A_351 = arith.addi %min3A_348, %add3A_350 : vector<16xi32>
      %swap3A_352 = arith.constant 128 : index
      %swap3A_353 = tpu.vector_load %arg13[%swap3A_352] {strides = array<i32>} : memref<160xi32, #tpu.memory_space<vmem>>, vector<16xi32>,
      tpu.vector_store %arg13[%swap3A_352], %add3A_351 {strides = array<i32>} : memref<160xi32, #tpu.memory_space<vmem>>, vector<16xi32>,
      %add3A_354 = arith.constant 64 : i32
      %add3A_355 = arith.addi %mul3A_201, %add3A_354 : i32
      %get3A_356 = arith.index_cast %add3A_355 : i32 to index
      %get3A_357 = tpu.vector_load %arg8[%get3A_356] {strides = array<i32>} : memref<2240xi32, #tpu.memory_space<vmem>>, vector<16xi32>,
      %jit3A_358 = arith.constant 0 : i32
      %jit3A_359 = arith.constant 999 : i32
      %max3A_360 = vector.broadcast %jit3A_358 : i32 to vector<16xi32>
      %max3A_361 = arith.maxsi %max3A_360, %get3A_357 : vector<16xi32>
      %min3A_362 = vector.broadcast %jit3A_359 : i32 to vector<16xi32>
      %min3A_363 = arith.minsi %min3A_362, %max3A_361 : vector<16xi32>
      %swap3A_364 = arith.constant 64 : index
      %swap3A_365 = tpu.vector_load %arg11[%swap3A_364] {strides = array<i32>} : memref<80xi32, #tpu.memory_space<vmem>>, vector<16xi32>,
      tpu.vector_store %arg11[%swap3A_364], %min3A_363 {strides = array<i32>} : memref<80xi32, #tpu.memory_space<vmem>>, vector<16xi32>,
      %get3A_366 = arith.index_cast %add3A_355 : i32 to index
      %get3A_367 = tpu.vector_load %arg9[%get3A_366] {strides = array<i32>} : memref<2240xi32, #tpu.memory_space<vmem>>, vector<16xi32>,
      %jit3A_368 = arith.constant 0 : i32
      %jit3A_369 = arith.constant 59 : i32
      %max3A_370 = vector.broadcast %jit3A_368 : i32 to vector<16xi32>
      %max3A_371 = arith.maxsi %max3A_370, %get3A_367 : vector<16xi32>
      %min3A_372 = vector.broadcast %jit3A_369 : i32 to vector<16xi32>
      %min3A_373 = arith.minsi %min3A_372, %max3A_371 : vector<16xi32>
      %add3A_374 = arith.constant 1000 : i32
      %add3A_375 = vector.broadcast %add3A_374 : i32 to vector<16xi32>
      %add3A_376 = arith.addi %min3A_373, %add3A_375 : vector<16xi32>
      %swap3A_377 = arith.constant 64 : index
      %swap3A_378 = tpu.vector_load %arg13[%swap3A_377] {strides = array<i32>} : memref<160xi32, #tpu.memory_space<vmem>>, vector<16xi32>,
      tpu.vector_store %arg13[%swap3A_377], %add3A_376 {strides = array<i32>} : memref<160xi32, #tpu.memory_space<vmem>>, vector<16xi32>,
      %get3A_379 = arith.index_cast %add3A_355 : i32 to index
      %get3A_380 = tpu.vector_load %arg7[%get3A_379] {strides = array<i32>} : memref<2240xi32, #tpu.memory_space<vmem>>, vector<16xi32>,
      %jit3A_381 = arith.constant 0 : i32
      %jit3A_382 = arith.constant 365 : i32
      %max3A_383 = vector.broadcast %jit3A_381 : i32 to vector<16xi32>
      %max3A_384 = arith.maxsi %max3A_383, %get3A_380 : vector<16xi32>
      %min3A_385 = vector.broadcast %jit3A_382 : i32 to vector<16xi32>
      %min3A_386 = arith.minsi %min3A_385, %max3A_384 : vector<16xi32>
      %add3A_387 = arith.constant 1064 : i32
      %add3A_388 = vector.broadcast %add3A_387 : i32 to vector<16xi32>
      %add3A_389 = arith.addi %min3A_386, %add3A_388 : vector<16xi32>
      %swap3A_390 = arith.constant 144 : index
      %swap3A_391 = tpu.vector_load %arg13[%swap3A_390] {strides = array<i32>} : memref<160xi32, #tpu.memory_space<vmem>>, vector<16xi32>,
      tpu.vector_store %arg13[%swap3A_390], %add3A_389 {strides = array<i32>} : memref<160xi32, #tpu.memory_space<vmem>>, vector<16xi32>,
      %dma_start3A_392 = arith.constant 0 : i32
      %dma_start3A_393 = arith.constant 0 : i32
      %dma_start3A_394 = tpu.memref_slice %arg2[%dma_start3A_392, %dma_start3A_393] : memref<1432x128xi32, #tpu.memory_space<hbm>> -> memref<1432x128xi32, #tpu.memory_space<hbm>>
      tpu.enqueue_indirect_dma source(%dma_start3A_394 : memref<1432x128xi32, #tpu.memory_space<hbm>>) target(%arg15 : memref<80x128xi32, #tpu.memory_space<vmem>>) offsets(%arg11 : memref<80xi32, #tpu.memory_space<vmem>>) semaphore(%arg21 : memref<!tpu.dma_semaphore, #tpu.memory_space<semaphore_mem>>)
      %dma_start3A_395 = arith.constant 0 : i32
      %dma_start3A_396 = arith.constant 0 : i32
      %dma_start3A_397 = tpu.memref_slice %arg2[%dma_start3A_395, %dma_start3A_396] : memref<1432x128xi32, #tpu.memory_space<hbm>> -> memref<1432x128xi32, #tpu.memory_space<hbm>>
      tpu.enqueue_indirect_dma source(%dma_start3A_397 : memref<1432x128xi32, #tpu.memory_space<hbm>>) target(%arg17 : memref<160x128xi32, #tpu.memory_space<vmem>>) offsets(%arg13 : memref<160xi32, #tpu.memory_space<vmem>>) semaphore(%arg23 : memref<!tpu.dma_semaphore, #tpu.memory_space<semaphore_mem>>)
      %dma_wait3A_398 = arith.constant 0 : i32
      %dma_wait3A_399 = arith.constant 0 : i32
      %dma_wait3A_400 = tpu.memref_slice %arg2[%dma_wait3A_398, %dma_wait3A_399] : memref<1432x128xi32, #tpu.memory_space<hbm>> -> memref<1432x128xi32, #tpu.memory_space<hbm>>
      tpu.wait_indirect_dma semaphore(%arg20 : memref<!tpu.dma_semaphore, #tpu.memory_space<semaphore_mem>>) src(%dma_wait3A_400 : memref<1432x128xi32, #tpu.memory_space<hbm>>) dst(%arg14 : memref<80x128xi32, #tpu.memory_space<vmem>>)
      %dma_wait3A_401 = arith.constant 0 : i32
      %dma_wait3A_402 = arith.constant 0 : i32
      %dma_wait3A_403 = tpu.memref_slice %arg2[%dma_wait3A_401, %dma_wait3A_402] : memref<1432x128xi32, #tpu.memory_space<hbm>> -> memref<1432x128xi32, #tpu.memory_space<hbm>>
      tpu.wait_indirect_dma semaphore(%arg22 : memref<!tpu.dma_semaphore, #tpu.memory_space<semaphore_mem>>) src(%dma_wait3A_403 : memref<1432x128xi32, #tpu.memory_space<hbm>>) dst(%arg16 : memref<160x128xi32, #tpu.memory_space<vmem>>)
      %gt3A = arith.constant 0 : i32
      %gt3A_404 = arith.cmpi sgt, %scan3A_195, %gt3A : i32
      %convert_element_type3A = arith.extui %gt3A_404 : i1 to i32
      %cond3A = arith.constant 0 : i32
      %cond3A_405 = arith.cmpi ne, %convert_element_type3A, %cond3A : i32
      scf.if %cond3A_405 {
        %dma_wait3A_456 = arith.constant 0 : i32
        %dma_wait3A_457 = tpu.memref_slice %arg6[%mul3A_2, %dma_wait3A_456] : memref<71680x256xf32, #tpu.memory_space<hbm>> -> memref<80x256xf32, #tpu.memory_space<hbm>>
        %dma_wait3A_458 = arith.constant 0 : i32
        %dma_wait3A_459 = tpu.memref_slice %arg6[%mul3A_2, %dma_wait3A_458] : memref<71680x256xf32, #tpu.memory_space<hbm>> -> memref<80x256xf32, #tpu.memory_space<hbm>>
        tpu.wait_dma2 semaphore(%arg24 : memref<!tpu.dma_semaphore, #tpu.memory_space<semaphore_mem>>) src(%arg18 : memref<80x256xf32, #tpu.memory_space<vmem>>) dst(%dma_wait3A_459 : memref<80x256xf32, #tpu.memory_space<hbm>>)
      } else {
      }
      %broadcast_in_dim3A = arith.constant -65536 : i32
      %broadcast_in_dim3A_406 = vector.broadcast %broadcast_in_dim3A : i32 to vector<16xi32>
      %scan3A_407 = arith.constant 0 : i32
      %scan3A_408 = arith.constant 0 : i32
      %scan3A_409 = arith.constant 80 : i32
      %scan3A_410 = arith.addi %scan3A_408, %scan3A_409 : i32
      %scan3A_411 = arith.constant 1 : i32
      scf.for %scan3A_456 = %scan3A_408 to %scan3A_410 step %scan3A_411  : i32 {
        %get3A_457 = arith.index_cast %scan3A_456 : i32 to index
        %get3A_458 = arith.constant 0 : index
        %get3A_459 = tpu.vector_load %arg14[%get3A_457, %get3A_458] {strides = array<i32>} : memref<80x128xi32, #tpu.memory_space<vmem>>, vector<16xi32>,
        %shift_left3A = arith.constant 16 : i32
        %shift_left3A_460 = vector.broadcast %shift_left3A : i32 to vector<16xi32>
        %shift_left3A_461 = arith.shli %get3A_459, %shift_left3A_460 : vector<16xi32>
        %bitcast3A = vector.bitcast %shift_left3A_461 : vector<16xi32> to vector<16xf32>
        %and3A = arith.andi %get3A_459, %broadcast_in_dim3A_406 : vector<16xi32>
        %bitcast3A_462 = vector.bitcast %and3A : vector<16xi32> to vector<16xf32>
        %get3A_463 = arith.index_cast %scan3A_456 : i32 to index
        %get3A_464 = arith.constant 0 : index
        %get3A_465 = tpu.vector_load %arg16[%get3A_463, %get3A_464] {strides = array<i32>} : memref<160x128xi32, #tpu.memory_space<vmem>>, vector<16xi32>,
        %shift_left3A_466 = arith.constant 16 : i32
        %shift_left3A_467 = vector.broadcast %shift_left3A_466 : i32 to vector<16xi32>
        %shift_left3A_468 = arith.shli %get3A_465, %shift_left3A_467 : vector<16xi32>
        %bitcast3A_469 = vector.bitcast %shift_left3A_468 : vector<16xi32> to vector<16xf32>
        %and3A_470 = arith.andi %get3A_465, %broadcast_in_dim3A_406 : vector<16xi32>
        %bitcast3A_471 = vector.bitcast %and3A_470 : vector<16xi32> to vector<16xf32>
        %add3A_472 = arith.constant 80 : i32
        %add3A_473 = arith.addi %add3A_472, %scan3A_456 : i32
        %get3A_474 = arith.index_cast %add3A_473 : i32 to index
        %get3A_475 = arith.constant 0 : index
        %get3A_476 = tpu.vector_load %arg16[%get3A_474, %get3A_475] {strides = array<i32>} : memref<160x128xi32, #tpu.memory_space<vmem>>, vector<16xi32>,
        %shift_left3A_477 = arith.constant 16 : i32
        %shift_left3A_478 = vector.broadcast %shift_left3A_477 : i32 to vector<16xi32>
        %shift_left3A_479 = arith.shli %get3A_476, %shift_left3A_478 : vector<16xi32>
        %bitcast3A_480 = vector.bitcast %shift_left3A_479 : vector<16xi32> to vector<16xf32>
        %and3A_481 = arith.andi %get3A_476, %broadcast_in_dim3A_406 : vector<16xi32>
        %bitcast3A_482 = vector.bitcast %and3A_481 : vector<16xi32> to vector<16xf32>
        %add3A_483 = arith.addf %bitcast3A, %bitcast3A_469 : vector<16xf32>
        %add3A_484 = arith.addf %add3A_483, %bitcast3A_480 : vector<16xf32>
        %swap3A_485 = arith.index_cast %scan3A_456 : i32 to index
        %swap3A_486 = arith.constant 0 : index
        %swap3A_487 = tpu.vector_load %arg18[%swap3A_485, %swap3A_486] {strides = array<i32>} : memref<80x256xf32, #tpu.memory_space<vmem>>, vector<16xf32>,
        tpu.vector_store %arg18[%swap3A_485, %swap3A_486], %add3A_484 {strides = array<i32>} : memref<80x256xf32, #tpu.memory_space<vmem>>, vector<16xf32>,
        %add3A_488 = arith.addf %bitcast3A_462, %bitcast3A_471 : vector<16xf32>
        %add3A_489 = arith.addf %add3A_488, %bitcast3A_482 : vector<16xf32>
        %swap3A_490 = arith.index_cast %scan3A_456 : i32 to index
        %swap3A_491 = arith.constant 16 : index
        %swap3A_492 = tpu.vector_load %arg18[%swap3A_490, %swap3A_491] {strides = array<i32>} : memref<80x256xf32, #tpu.memory_space<vmem>>, vector<16xf32>,
        tpu.vector_store %arg18[%swap3A_490, %swap3A_491], %add3A_489 {strides = array<i32>} : memref<80x256xf32, #tpu.memory_space<vmem>>, vector<16xf32>,
        %get3A_493 = arith.index_cast %scan3A_456 : i32 to index
        %get3A_494 = arith.constant 16 : index
        %get3A_495 = tpu.vector_load %arg14[%get3A_493, %get3A_494] {strides = array<i32>} : memref<80x128xi32, #tpu.memory_space<vmem>>, vector<16xi32>,
        %shift_left3A_496 = arith.constant 16 : i32
        %shift_left3A_497 = vector.broadcast %shift_left3A_496 : i32 to vector<16xi32>
        %shift_left3A_498 = arith.shli %get3A_495, %shift_left3A_497 : vector<16xi32>
        %bitcast3A_499 = vector.bitcast %shift_left3A_498 : vector<16xi32> to vector<16xf32>
        %and3A_500 = arith.andi %get3A_495, %broadcast_in_dim3A_406 : vector<16xi32>
        %bitcast3A_501 = vector.bitcast %and3A_500 : vector<16xi32> to vector<16xf32>
        %get3A_502 = arith.index_cast %scan3A_456 : i32 to index
        %get3A_503 = arith.constant 16 : index
        %get3A_504 = tpu.vector_load %arg16[%get3A_502, %get3A_503] {strides = array<i32>} : memref<160x128xi32, #tpu.memory_space<vmem>>, vector<16xi32>,
        %shift_left3A_505 = arith.constant 16 : i32
        %shift_left3A_506 = vector.broadcast %shift_left3A_505 : i32 to vector<16xi32>
        %shift_left3A_507 = arith.shli %get3A_504, %shift_left3A_506 : vector<16xi32>
        %bitcast3A_508 = vector.bitcast %shift_left3A_507 : vector<16xi32> to vector<16xf32>
        %and3A_509 = arith.andi %get3A_504, %broadcast_in_dim3A_406 : vector<16xi32>
        %bitcast3A_510 = vector.bitcast %and3A_509 : vector<16xi32> to vector<16xf32>
        %add3A_511 = arith.constant 80 : i32
        %add3A_512 = arith.addi %add3A_511, %scan3A_456 : i32
        %get3A_513 = arith.index_cast %add3A_512 : i32 to index
        %get3A_514 = arith.constant 16 : index
        %get3A_515 = tpu.vector_load %arg16[%get3A_513, %get3A_514] {strides = array<i32>} : memref<160x128xi32, #tpu.memory_space<vmem>>, vector<16xi32>,
        %shift_left3A_516 = arith.constant 16 : i32
        %shift_left3A_517 = vector.broadcast %shift_left3A_516 : i32 to vector<16xi32>
        %shift_left3A_518 = arith.shli %get3A_515, %shift_left3A_517 : vector<16xi32>
        %bitcast3A_519 = vector.bitcast %shift_left3A_518 : vector<16xi32> to vector<16xf32>
        %and3A_520 = arith.andi %get3A_515, %broadcast_in_dim3A_406 : vector<16xi32>
        %bitcast3A_521 = vector.bitcast %and3A_520 : vector<16xi32> to vector<16xf32>
        %add3A_522 = arith.addf %bitcast3A_499, %bitcast3A_508 : vector<16xf32>
        %add3A_523 = arith.addf %add3A_522, %bitcast3A_519 : vector<16xf32>
        %swap3A_524 = arith.index_cast %scan3A_456 : i32 to index
        %swap3A_525 = arith.constant 32 : index
        %swap3A_526 = tpu.vector_load %arg18[%swap3A_524, %swap3A_525] {strides = array<i32>} : memref<80x256xf32, #tpu.memory_space<vmem>>, vector<16xf32>,
        tpu.vector_store %arg18[%swap3A_524, %swap3A_525], %add3A_523 {strides = array<i32>} : memref<80x256xf32, #tpu.memory_space<vmem>>, vector<16xf32>,
        %add3A_527 = arith.addf %bitcast3A_501, %bitcast3A_510 : vector<16xf32>
        %add3A_528 = arith.addf %add3A_527, %bitcast3A_521 : vector<16xf32>
        %swap3A_529 = arith.index_cast %scan3A_456 : i32 to index
        %swap3A_530 = arith.constant 48 : index
        %swap3A_531 = tpu.vector_load %arg18[%swap3A_529, %swap3A_530] {strides = array<i32>} : memref<80x256xf32, #tpu.memory_space<vmem>>, vector<16xf32>,
        tpu.vector_store %arg18[%swap3A_529, %swap3A_530], %add3A_528 {strides = array<i32>} : memref<80x256xf32, #tpu.memory_space<vmem>>, vector<16xf32>,
        %get3A_532 = arith.index_cast %scan3A_456 : i32 to index
        %get3A_533 = arith.constant 32 : index
        %get3A_534 = tpu.vector_load %arg14[%get3A_532, %get3A_533] {strides = array<i32>} : memref<80x128xi32, #tpu.memory_space<vmem>>, vector<16xi32>,
        %shift_left3A_535 = arith.constant 16 : i32
        %shift_left3A_536 = vector.broadcast %shift_left3A_535 : i32 to vector<16xi32>
        %shift_left3A_537 = arith.shli %get3A_534, %shift_left3A_536 : vector<16xi32>
        %bitcast3A_538 = vector.bitcast %shift_left3A_537 : vector<16xi32> to vector<16xf32>
        %and3A_539 = arith.andi %get3A_534, %broadcast_in_dim3A_406 : vector<16xi32>
        %bitcast3A_540 = vector.bitcast %and3A_539 : vector<16xi32> to vector<16xf32>
        %get3A_541 = arith.index_cast %scan3A_456 : i32 to index
        %get3A_542 = arith.constant 32 : index
        %get3A_543 = tpu.vector_load %arg16[%get3A_541, %get3A_542] {strides = array<i32>} : memref<160x128xi32, #tpu.memory_space<vmem>>, vector<16xi32>,
        %shift_left3A_544 = arith.constant 16 : i32
        %shift_left3A_545 = vector.broadcast %shift_left3A_544 : i32 to vector<16xi32>
        %shift_left3A_546 = arith.shli %get3A_543, %shift_left3A_545 : vector<16xi32>
        %bitcast3A_547 = vector.bitcast %shift_left3A_546 : vector<16xi32> to vector<16xf32>
        %and3A_548 = arith.andi %get3A_543, %broadcast_in_dim3A_406 : vector<16xi32>
        %bitcast3A_549 = vector.bitcast %and3A_548 : vector<16xi32> to vector<16xf32>
        %add3A_550 = arith.constant 80 : i32
        %add3A_551 = arith.addi %add3A_550, %scan3A_456 : i32
        %get3A_552 = arith.index_cast %add3A_551 : i32 to index
        %get3A_553 = arith.constant 32 : index
        %get3A_554 = tpu.vector_load %arg16[%get3A_552, %get3A_553] {strides = array<i32>} : memref<160x128xi32, #tpu.memory_space<vmem>>, vector<16xi32>,
        %shift_left3A_555 = arith.constant 16 : i32
        %shift_left3A_556 = vector.broadcast %shift_left3A_555 : i32 to vector<16xi32>
        %shift_left3A_557 = arith.shli %get3A_554, %shift_left3A_556 : vector<16xi32>
        %bitcast3A_558 = vector.bitcast %shift_left3A_557 : vector<16xi32> to vector<16xf32>
        %and3A_559 = arith.andi %get3A_554, %broadcast_in_dim3A_406 : vector<16xi32>
        %bitcast3A_560 = vector.bitcast %and3A_559 : vector<16xi32> to vector<16xf32>
        %add3A_561 = arith.addf %bitcast3A_538, %bitcast3A_547 : vector<16xf32>
        %add3A_562 = arith.addf %add3A_561, %bitcast3A_558 : vector<16xf32>
        %swap3A_563 = arith.index_cast %scan3A_456 : i32 to index
        %swap3A_564 = arith.constant 64 : index
        %swap3A_565 = tpu.vector_load %arg18[%swap3A_563, %swap3A_564] {strides = array<i32>} : memref<80x256xf32, #tpu.memory_space<vmem>>, vector<16xf32>,
        tpu.vector_store %arg18[%swap3A_563, %swap3A_564], %add3A_562 {strides = array<i32>} : memref<80x256xf32, #tpu.memory_space<vmem>>, vector<16xf32>,
        %add3A_566 = arith.addf %bitcast3A_540, %bitcast3A_549 : vector<16xf32>
        %add3A_567 = arith.addf %add3A_566, %bitcast3A_560 : vector<16xf32>
        %swap3A_568 = arith.index_cast %scan3A_456 : i32 to index
        %swap3A_569 = arith.constant 80 : index
        %swap3A_570 = tpu.vector_load %arg18[%swap3A_568, %swap3A_569] {strides = array<i32>} : memref<80x256xf32, #tpu.memory_space<vmem>>, vector<16xf32>,
        tpu.vector_store %arg18[%swap3A_568, %swap3A_569], %add3A_567 {strides = array<i32>} : memref<80x256xf32, #tpu.memory_space<vmem>>, vector<16xf32>,
        %get3A_571 = arith.index_cast %scan3A_456 : i32 to index
        %get3A_572 = arith.constant 48 : index
        %get3A_573 = tpu.vector_load %arg14[%get3A_571, %get3A_572] {strides = array<i32>} : memref<80x128xi32, #tpu.memory_space<vmem>>, vector<16xi32>,
        %shift_left3A_574 = arith.constant 16 : i32
        %shift_left3A_575 = vector.broadcast %shift_left3A_574 : i32 to vector<16xi32>
        %shift_left3A_576 = arith.shli %get3A_573, %shift_left3A_575 : vector<16xi32>
        %bitcast3A_577 = vector.bitcast %shift_left3A_576 : vector<16xi32> to vector<16xf32>
        %and3A_578 = arith.andi %get3A_573, %broadcast_in_dim3A_406 : vector<16xi32>
        %bitcast3A_579 = vector.bitcast %and3A_578 : vector<16xi32> to vector<16xf32>
        %get3A_580 = arith.index_cast %scan3A_456 : i32 to index
        %get3A_581 = arith.constant 48 : index
        %get3A_582 = tpu.vector_load %arg16[%get3A_580, %get3A_581] {strides = array<i32>} : memref<160x128xi32, #tpu.memory_space<vmem>>, vector<16xi32>,
        %shift_left3A_583 = arith.constant 16 : i32
        %shift_left3A_584 = vector.broadcast %shift_left3A_583 : i32 to vector<16xi32>
        %shift_left3A_585 = arith.shli %get3A_582, %shift_left3A_584 : vector<16xi32>
        %bitcast3A_586 = vector.bitcast %shift_left3A_585 : vector<16xi32> to vector<16xf32>
        %and3A_587 = arith.andi %get3A_582, %broadcast_in_dim3A_406 : vector<16xi32>
        %bitcast3A_588 = vector.bitcast %and3A_587 : vector<16xi32> to vector<16xf32>
        %add3A_589 = arith.constant 80 : i32
        %add3A_590 = arith.addi %add3A_589, %scan3A_456 : i32
        %get3A_591 = arith.index_cast %add3A_590 : i32 to index
        %get3A_592 = arith.constant 48 : index
        %get3A_593 = tpu.vector_load %arg16[%get3A_591, %get3A_592] {strides = array<i32>} : memref<160x128xi32, #tpu.memory_space<vmem>>, vector<16xi32>,
        %shift_left3A_594 = arith.constant 16 : i32
        %shift_left3A_595 = vector.broadcast %shift_left3A_594 : i32 to vector<16xi32>
        %shift_left3A_596 = arith.shli %get3A_593, %shift_left3A_595 : vector<16xi32>
        %bitcast3A_597 = vector.bitcast %shift_left3A_596 : vector<16xi32> to vector<16xf32>
        %and3A_598 = arith.andi %get3A_593, %broadcast_in_dim3A_406 : vector<16xi32>
        %bitcast3A_599 = vector.bitcast %and3A_598 : vector<16xi32> to vector<16xf32>
        %add3A_600 = arith.addf %bitcast3A_577, %bitcast3A_586 : vector<16xf32>
        %add3A_601 = arith.addf %add3A_600, %bitcast3A_597 : vector<16xf32>
        %swap3A_602 = arith.index_cast %scan3A_456 : i32 to index
        %swap3A_603 = arith.constant 96 : index
        %swap3A_604 = tpu.vector_load %arg18[%swap3A_602, %swap3A_603] {strides = array<i32>} : memref<80x256xf32, #tpu.memory_space<vmem>>, vector<16xf32>,
        tpu.vector_store %arg18[%swap3A_602, %swap3A_603], %add3A_601 {strides = array<i32>} : memref<80x256xf32, #tpu.memory_space<vmem>>, vector<16xf32>,
        %add3A_605 = arith.addf %bitcast3A_579, %bitcast3A_588 : vector<16xf32>
        %add3A_606 = arith.addf %add3A_605, %bitcast3A_599 : vector<16xf32>
        %swap3A_607 = arith.index_cast %scan3A_456 : i32 to index
        %swap3A_608 = arith.constant 112 : index
        %swap3A_609 = tpu.vector_load %arg18[%swap3A_607, %swap3A_608] {strides = array<i32>} : memref<80x256xf32, #tpu.memory_space<vmem>>, vector<16xf32>,
        tpu.vector_store %arg18[%swap3A_607, %swap3A_608], %add3A_606 {strides = array<i32>} : memref<80x256xf32, #tpu.memory_space<vmem>>, vector<16xf32>,
        %get3A_610 = arith.index_cast %scan3A_456 : i32 to index
        %get3A_611 = arith.constant 64 : index
        %get3A_612 = tpu.vector_load %arg14[%get3A_610, %get3A_611] {strides = array<i32>} : memref<80x128xi32, #tpu.memory_space<vmem>>, vector<16xi32>,
        %shift_left3A_613 = arith.constant 16 : i32
        %shift_left3A_614 = vector.broadcast %shift_left3A_613 : i32 to vector<16xi32>
        %shift_left3A_615 = arith.shli %get3A_612, %shift_left3A_614 : vector<16xi32>
        %bitcast3A_616 = vector.bitcast %shift_left3A_615 : vector<16xi32> to vector<16xf32>
        %and3A_617 = arith.andi %get3A_612, %broadcast_in_dim3A_406 : vector<16xi32>
        %bitcast3A_618 = vector.bitcast %and3A_617 : vector<16xi32> to vector<16xf32>
        %get3A_619 = arith.index_cast %scan3A_456 : i32 to index
        %get3A_620 = arith.constant 64 : index
        %get3A_621 = tpu.vector_load %arg16[%get3A_619, %get3A_620] {strides = array<i32>} : memref<160x128xi32, #tpu.memory_space<vmem>>, vector<16xi32>,
        %shift_left3A_622 = arith.constant 16 : i32
        %shift_left3A_623 = vector.broadcast %shift_left3A_622 : i32 to vector<16xi32>
        %shift_left3A_624 = arith.shli %get3A_621, %shift_left3A_623 : vector<16xi32>
        %bitcast3A_625 = vector.bitcast %shift_left3A_624 : vector<16xi32> to vector<16xf32>
        %and3A_626 = arith.andi %get3A_621, %broadcast_in_dim3A_406 : vector<16xi32>
        %bitcast3A_627 = vector.bitcast %and3A_626 : vector<16xi32> to vector<16xf32>
        %add3A_628 = arith.constant 80 : i32
        %add3A_629 = arith.addi %add3A_628, %scan3A_456 : i32
        %get3A_630 = arith.index_cast %add3A_629 : i32 to index
        %get3A_631 = arith.constant 64 : index
        %get3A_632 = tpu.vector_load %arg16[%get3A_630, %get3A_631] {strides = array<i32>} : memref<160x128xi32, #tpu.memory_space<vmem>>, vector<16xi32>,
        %shift_left3A_633 = arith.constant 16 : i32
        %shift_left3A_634 = vector.broadcast %shift_left3A_633 : i32 to vector<16xi32>
        %shift_left3A_635 = arith.shli %get3A_632, %shift_left3A_634 : vector<16xi32>
        %bitcast3A_636 = vector.bitcast %shift_left3A_635 : vector<16xi32> to vector<16xf32>
        %and3A_637 = arith.andi %get3A_632, %broadcast_in_dim3A_406 : vector<16xi32>
        %bitcast3A_638 = vector.bitcast %and3A_637 : vector<16xi32> to vector<16xf32>
        %add3A_639 = arith.addf %bitcast3A_616, %bitcast3A_625 : vector<16xf32>
        %add3A_640 = arith.addf %add3A_639, %bitcast3A_636 : vector<16xf32>
        %swap3A_641 = arith.index_cast %scan3A_456 : i32 to index
        %swap3A_642 = arith.constant 128 : index
        %swap3A_643 = tpu.vector_load %arg18[%swap3A_641, %swap3A_642] {strides = array<i32>} : memref<80x256xf32, #tpu.memory_space<vmem>>, vector<16xf32>,
        tpu.vector_store %arg18[%swap3A_641, %swap3A_642], %add3A_640 {strides = array<i32>} : memref<80x256xf32, #tpu.memory_space<vmem>>, vector<16xf32>,
        %add3A_644 = arith.addf %bitcast3A_618, %bitcast3A_627 : vector<16xf32>
        %add3A_645 = arith.addf %add3A_644, %bitcast3A_638 : vector<16xf32>
        %swap3A_646 = arith.index_cast %scan3A_456 : i32 to index
        %swap3A_647 = arith.constant 144 : index
        %swap3A_648 = tpu.vector_load %arg18[%swap3A_646, %swap3A_647] {strides = array<i32>} : memref<80x256xf32, #tpu.memory_space<vmem>>, vector<16xf32>,
        tpu.vector_store %arg18[%swap3A_646, %swap3A_647], %add3A_645 {strides = array<i32>} : memref<80x256xf32, #tpu.memory_space<vmem>>, vector<16xf32>,
        %get3A_649 = arith.index_cast %scan3A_456 : i32 to index
        %get3A_650 = arith.constant 80 : index
        %get3A_651 = tpu.vector_load %arg14[%get3A_649, %get3A_650] {strides = array<i32>} : memref<80x128xi32, #tpu.memory_space<vmem>>, vector<16xi32>,
        %shift_left3A_652 = arith.constant 16 : i32
        %shift_left3A_653 = vector.broadcast %shift_left3A_652 : i32 to vector<16xi32>
        %shift_left3A_654 = arith.shli %get3A_651, %shift_left3A_653 : vector<16xi32>
        %bitcast3A_655 = vector.bitcast %shift_left3A_654 : vector<16xi32> to vector<16xf32>
        %and3A_656 = arith.andi %get3A_651, %broadcast_in_dim3A_406 : vector<16xi32>
        %bitcast3A_657 = vector.bitcast %and3A_656 : vector<16xi32> to vector<16xf32>
        %get3A_658 = arith.index_cast %scan3A_456 : i32 to index
        %get3A_659 = arith.constant 80 : index
        %get3A_660 = tpu.vector_load %arg16[%get3A_658, %get3A_659] {strides = array<i32>} : memref<160x128xi32, #tpu.memory_space<vmem>>, vector<16xi32>,
        %shift_left3A_661 = arith.constant 16 : i32
        %shift_left3A_662 = vector.broadcast %shift_left3A_661 : i32 to vector<16xi32>
        %shift_left3A_663 = arith.shli %get3A_660, %shift_left3A_662 : vector<16xi32>
        %bitcast3A_664 = vector.bitcast %shift_left3A_663 : vector<16xi32> to vector<16xf32>
        %and3A_665 = arith.andi %get3A_660, %broadcast_in_dim3A_406 : vector<16xi32>
        %bitcast3A_666 = vector.bitcast %and3A_665 : vector<16xi32> to vector<16xf32>
        %add3A_667 = arith.constant 80 : i32
        %add3A_668 = arith.addi %add3A_667, %scan3A_456 : i32
        %get3A_669 = arith.index_cast %add3A_668 : i32 to index
        %get3A_670 = arith.constant 80 : index
        %get3A_671 = tpu.vector_load %arg16[%get3A_669, %get3A_670] {strides = array<i32>} : memref<160x128xi32, #tpu.memory_space<vmem>>, vector<16xi32>,
        %shift_left3A_672 = arith.constant 16 : i32
        %shift_left3A_673 = vector.broadcast %shift_left3A_672 : i32 to vector<16xi32>
        %shift_left3A_674 = arith.shli %get3A_671, %shift_left3A_673 : vector<16xi32>
        %bitcast3A_675 = vector.bitcast %shift_left3A_674 : vector<16xi32> to vector<16xf32>
        %and3A_676 = arith.andi %get3A_671, %broadcast_in_dim3A_406 : vector<16xi32>
        %bitcast3A_677 = vector.bitcast %and3A_676 : vector<16xi32> to vector<16xf32>
        %add3A_678 = arith.addf %bitcast3A_655, %bitcast3A_664 : vector<16xf32>
        %add3A_679 = arith.addf %add3A_678, %bitcast3A_675 : vector<16xf32>
        %swap3A_680 = arith.index_cast %scan3A_456 : i32 to index
        %swap3A_681 = arith.constant 160 : index
        %swap3A_682 = tpu.vector_load %arg18[%swap3A_680, %swap3A_681] {strides = array<i32>} : memref<80x256xf32, #tpu.memory_space<vmem>>, vector<16xf32>,
        tpu.vector_store %arg18[%swap3A_680, %swap3A_681], %add3A_679 {strides = array<i32>} : memref<80x256xf32, #tpu.memory_space<vmem>>, vector<16xf32>,
        %add3A_683 = arith.addf %bitcast3A_657, %bitcast3A_666 : vector<16xf32>
        %add3A_684 = arith.addf %add3A_683, %bitcast3A_677 : vector<16xf32>
        %swap3A_685 = arith.index_cast %scan3A_456 : i32 to index
        %swap3A_686 = arith.constant 176 : index
        %swap3A_687 = tpu.vector_load %arg18[%swap3A_685, %swap3A_686] {strides = array<i32>} : memref<80x256xf32, #tpu.memory_space<vmem>>, vector<16xf32>,
        tpu.vector_store %arg18[%swap3A_685, %swap3A_686], %add3A_684 {strides = array<i32>} : memref<80x256xf32, #tpu.memory_space<vmem>>, vector<16xf32>,
        %get3A_688 = arith.index_cast %scan3A_456 : i32 to index
        %get3A_689 = arith.constant 96 : index
        %get3A_690 = tpu.vector_load %arg14[%get3A_688, %get3A_689] {strides = array<i32>} : memref<80x128xi32, #tpu.memory_space<vmem>>, vector<16xi32>,
        %shift_left3A_691 = arith.constant 16 : i32
        %shift_left3A_692 = vector.broadcast %shift_left3A_691 : i32 to vector<16xi32>
        %shift_left3A_693 = arith.shli %get3A_690, %shift_left3A_692 : vector<16xi32>
        %bitcast3A_694 = vector.bitcast %shift_left3A_693 : vector<16xi32> to vector<16xf32>
        %and3A_695 = arith.andi %get3A_690, %broadcast_in_dim3A_406 : vector<16xi32>
        %bitcast3A_696 = vector.bitcast %and3A_695 : vector<16xi32> to vector<16xf32>
        %get3A_697 = arith.index_cast %scan3A_456 : i32 to index
        %get3A_698 = arith.constant 96 : index
        %get3A_699 = tpu.vector_load %arg16[%get3A_697, %get3A_698] {strides = array<i32>} : memref<160x128xi32, #tpu.memory_space<vmem>>, vector<16xi32>,
        %shift_left3A_700 = arith.constant 16 : i32
        %shift_left3A_701 = vector.broadcast %shift_left3A_700 : i32 to vector<16xi32>
        %shift_left3A_702 = arith.shli %get3A_699, %shift_left3A_701 : vector<16xi32>
        %bitcast3A_703 = vector.bitcast %shift_left3A_702 : vector<16xi32> to vector<16xf32>
        %and3A_704 = arith.andi %get3A_699, %broadcast_in_dim3A_406 : vector<16xi32>
        %bitcast3A_705 = vector.bitcast %and3A_704 : vector<16xi32> to vector<16xf32>
        %add3A_706 = arith.constant 80 : i32
        %add3A_707 = arith.addi %add3A_706, %scan3A_456 : i32
        %get3A_708 = arith.index_cast %add3A_707 : i32 to index
        %get3A_709 = arith.constant 96 : index
        %get3A_710 = tpu.vector_load %arg16[%get3A_708, %get3A_709] {strides = array<i32>} : memref<160x128xi32, #tpu.memory_space<vmem>>, vector<16xi32>,
        %shift_left3A_711 = arith.constant 16 : i32
        %shift_left3A_712 = vector.broadcast %shift_left3A_711 : i32 to vector<16xi32>
        %shift_left3A_713 = arith.shli %get3A_710, %shift_left3A_712 : vector<16xi32>
        %bitcast3A_714 = vector.bitcast %shift_left3A_713 : vector<16xi32> to vector<16xf32>
        %and3A_715 = arith.andi %get3A_710, %broadcast_in_dim3A_406 : vector<16xi32>
        %bitcast3A_716 = vector.bitcast %and3A_715 : vector<16xi32> to vector<16xf32>
        %add3A_717 = arith.addf %bitcast3A_694, %bitcast3A_703 : vector<16xf32>
        %add3A_718 = arith.addf %add3A_717, %bitcast3A_714 : vector<16xf32>
        %swap3A_719 = arith.index_cast %scan3A_456 : i32 to index
        %swap3A_720 = arith.constant 192 : index
        %swap3A_721 = tpu.vector_load %arg18[%swap3A_719, %swap3A_720] {strides = array<i32>} : memref<80x256xf32, #tpu.memory_space<vmem>>, vector<16xf32>,
        tpu.vector_store %arg18[%swap3A_719, %swap3A_720], %add3A_718 {strides = array<i32>} : memref<80x256xf32, #tpu.memory_space<vmem>>, vector<16xf32>,
        %add3A_722 = arith.addf %bitcast3A_696, %bitcast3A_705 : vector<16xf32>
        %add3A_723 = arith.addf %add3A_722, %bitcast3A_716 : vector<16xf32>
        %swap3A_724 = arith.index_cast %scan3A_456 : i32 to index
        %swap3A_725 = arith.constant 208 : index
        %swap3A_726 = tpu.vector_load %arg18[%swap3A_724, %swap3A_725] {strides = array<i32>} : memref<80x256xf32, #tpu.memory_space<vmem>>, vector<16xf32>,
        tpu.vector_store %arg18[%swap3A_724, %swap3A_725], %add3A_723 {strides = array<i32>} : memref<80x256xf32, #tpu.memory_space<vmem>>, vector<16xf32>,
        %get3A_727 = arith.index_cast %scan3A_456 : i32 to index
        %get3A_728 = arith.constant 112 : index
        %get3A_729 = tpu.vector_load %arg14[%get3A_727, %get3A_728] {strides = array<i32>} : memref<80x128xi32, #tpu.memory_space<vmem>>, vector<16xi32>,
        %shift_left3A_730 = arith.constant 16 : i32
        %shift_left3A_731 = vector.broadcast %shift_left3A_730 : i32 to vector<16xi32>
        %shift_left3A_732 = arith.shli %get3A_729, %shift_left3A_731 : vector<16xi32>
        %bitcast3A_733 = vector.bitcast %shift_left3A_732 : vector<16xi32> to vector<16xf32>
        %and3A_734 = arith.andi %get3A_729, %broadcast_in_dim3A_406 : vector<16xi32>
        %bitcast3A_735 = vector.bitcast %and3A_734 : vector<16xi32> to vector<16xf32>
        %get3A_736 = arith.index_cast %scan3A_456 : i32 to index
        %get3A_737 = arith.constant 112 : index
        %get3A_738 = tpu.vector_load %arg16[%get3A_736, %get3A_737] {strides = array<i32>} : memref<160x128xi32, #tpu.memory_space<vmem>>, vector<16xi32>,
        %shift_left3A_739 = arith.constant 16 : i32
        %shift_left3A_740 = vector.broadcast %shift_left3A_739 : i32 to vector<16xi32>
        %shift_left3A_741 = arith.shli %get3A_738, %shift_left3A_740 : vector<16xi32>
        %bitcast3A_742 = vector.bitcast %shift_left3A_741 : vector<16xi32> to vector<16xf32>
        %and3A_743 = arith.andi %get3A_738, %broadcast_in_dim3A_406 : vector<16xi32>
        %bitcast3A_744 = vector.bitcast %and3A_743 : vector<16xi32> to vector<16xf32>
        %add3A_745 = arith.constant 80 : i32
        %add3A_746 = arith.addi %add3A_745, %scan3A_456 : i32
        %get3A_747 = arith.index_cast %add3A_746 : i32 to index
        %get3A_748 = arith.constant 112 : index
        %get3A_749 = tpu.vector_load %arg16[%get3A_747, %get3A_748] {strides = array<i32>} : memref<160x128xi32, #tpu.memory_space<vmem>>, vector<16xi32>,
        %shift_left3A_750 = arith.constant 16 : i32
        %shift_left3A_751 = vector.broadcast %shift_left3A_750 : i32 to vector<16xi32>
        %shift_left3A_752 = arith.shli %get3A_749, %shift_left3A_751 : vector<16xi32>
        %bitcast3A_753 = vector.bitcast %shift_left3A_752 : vector<16xi32> to vector<16xf32>
        %and3A_754 = arith.andi %get3A_749, %broadcast_in_dim3A_406 : vector<16xi32>
        %bitcast3A_755 = vector.bitcast %and3A_754 : vector<16xi32> to vector<16xf32>
        %add3A_756 = arith.addf %bitcast3A_733, %bitcast3A_742 : vector<16xf32>
        %add3A_757 = arith.addf %add3A_756, %bitcast3A_753 : vector<16xf32>
        %swap3A_758 = arith.index_cast %scan3A_456 : i32 to index
        %swap3A_759 = arith.constant 224 : index
        %swap3A_760 = tpu.vector_load %arg18[%swap3A_758, %swap3A_759] {strides = array<i32>} : memref<80x256xf32, #tpu.memory_space<vmem>>, vector<16xf32>,
        tpu.vector_store %arg18[%swap3A_758, %swap3A_759], %add3A_757 {strides = array<i32>} : memref<80x256xf32, #tpu.memory_space<vmem>>, vector<16xf32>,
        %add3A_761 = arith.addf %bitcast3A_735, %bitcast3A_744 : vector<16xf32>
        %add3A_762 = arith.addf %add3A_761, %bitcast3A_755 : vector<16xf32>
        %swap3A_763 = arith.index_cast %scan3A_456 : i32 to index
        %swap3A_764 = arith.constant 240 : index
        %swap3A_765 = tpu.vector_load %arg18[%swap3A_763, %swap3A_764] {strides = array<i32>} : memref<80x256xf32, #tpu.memory_space<vmem>>, vector<16xf32>,
        tpu.vector_store %arg18[%swap3A_763, %swap3A_764], %add3A_762 {strides = array<i32>} : memref<80x256xf32, #tpu.memory_space<vmem>>, vector<16xf32>,
      }
      %scan3A_412 = arith.constant 80 : i32
      %mul3A_413 = arith.constant 2 : i32
      %mul3A_414 = arith.muli %mul3A_413, %scan3A_195 : i32
      %mul3A_415 = arith.constant 80 : i32
      %mul3A_416 = arith.muli %mul3A_414, %mul3A_415 : i32
      %add3A_417 = arith.addi %mul3A_2, %mul3A_416 : i32
      %dma_start3A_418 = arith.constant 0 : i32
      %dma_start3A_419 = tpu.memref_slice %arg6[%add3A_417, %dma_start3A_418] : memref<71680x256xf32, #tpu.memory_space<hbm>> -> memref<80x256xf32, #tpu.memory_space<hbm>>
      %dma_start3A_420 = arith.constant 0 : i32
      %dma_start3A_421 = tpu.memref_slice %arg6[%add3A_417, %dma_start3A_420] : memref<71680x256xf32, #tpu.memory_space<hbm>> -> memref<80x256xf32, #tpu.memory_space<hbm>>
      tpu.enqueue_dma source(%arg18 : memref<80x256xf32, #tpu.memory_space<vmem>>) target(%dma_start3A_421 : memref<80x256xf32, #tpu.memory_space<hbm>>) target_semaphore(%arg24 : memref<!tpu.dma_semaphore, #tpu.memory_space<semaphore_mem>>)
      %lt3A = arith.constant 13 : i32
      %lt3A_422 = arith.cmpi slt, %scan3A_195, %lt3A : i32
      %convert_element_type3A_423 = arith.extui %lt3A_422 : i1 to i32
      %cond3A_424 = arith.constant 0 : i32
      %cond3A_425 = arith.cmpi ne, %convert_element_type3A_423, %cond3A_424 : i32
      scf.if %cond3A_425 {
        %mul3A_456 = arith.constant 2 : i32
        %mul3A_457 = arith.muli %mul3A_456, %scan3A_195 : i32
        %add3A_458 = arith.constant 2 : i32
        %add3A_459 = arith.addi %mul3A_457, %add3A_458 : i32
        %mul3A_460 = arith.constant 80 : i32
        %mul3A_461 = arith.muli %add3A_459, %mul3A_460 : i32
        %add3A_462 = arith.constant 0 : i32
        %add3A_463 = arith.addi %mul3A_461, %add3A_462 : i32
        %get3A_464 = arith.index_cast %add3A_463 : i32 to index
        %get3A_465 = tpu.vector_load %arg8[%get3A_464] {strides = array<i32>} : memref<2240xi32, #tpu.memory_space<vmem>>, vector<16xi32>,
        %jit3A_466 = arith.constant 0 : i32
        %jit3A_467 = arith.constant 999 : i32
        %max3A_468 = vector.broadcast %jit3A_466 : i32 to vector<16xi32>
        %max3A_469 = arith.maxsi %max3A_468, %get3A_465 : vector<16xi32>
        %min3A_470 = vector.broadcast %jit3A_467 : i32 to vector<16xi32>
        %min3A_471 = arith.minsi %min3A_470, %max3A_469 : vector<16xi32>
        %swap3A_472 = arith.constant 0 : index
        %swap3A_473 = tpu.vector_load %arg10[%swap3A_472] {strides = array<i32>} : memref<80xi32, #tpu.memory_space<vmem>>, vector<16xi32>,
        tpu.vector_store %arg10[%swap3A_472], %min3A_471 {strides = array<i32>} : memref<80xi32, #tpu.memory_space<vmem>>, vector<16xi32>,
        %get3A_474 = arith.index_cast %add3A_463 : i32 to index
        %get3A_475 = tpu.vector_load %arg9[%get3A_474] {strides = array<i32>} : memref<2240xi32, #tpu.memory_space<vmem>>, vector<16xi32>,
        %jit3A_476 = arith.constant 0 : i32
        %jit3A_477 = arith.constant 59 : i32
        %max3A_478 = vector.broadcast %jit3A_476 : i32 to vector<16xi32>
        %max3A_479 = arith.maxsi %max3A_478, %get3A_475 : vector<16xi32>
        %min3A_480 = vector.broadcast %jit3A_477 : i32 to vector<16xi32>
        %min3A_481 = arith.minsi %min3A_480, %max3A_479 : vector<16xi32>
        %add3A_482 = arith.constant 1000 : i32
        %add3A_483 = vector.broadcast %add3A_482 : i32 to vector<16xi32>
        %add3A_484 = arith.addi %min3A_481, %add3A_483 : vector<16xi32>
        %swap3A_485 = arith.constant 0 : index
        %swap3A_486 = tpu.vector_load %arg12[%swap3A_485] {strides = array<i32>} : memref<160xi32, #tpu.memory_space<vmem>>, vector<16xi32>,
        tpu.vector_store %arg12[%swap3A_485], %add3A_484 {strides = array<i32>} : memref<160xi32, #tpu.memory_space<vmem>>, vector<16xi32>,
        %get3A_487 = arith.index_cast %add3A_463 : i32 to index
        %get3A_488 = tpu.vector_load %arg7[%get3A_487] {strides = array<i32>} : memref<2240xi32, #tpu.memory_space<vmem>>, vector<16xi32>,
        %jit3A_489 = arith.constant 0 : i32
        %jit3A_490 = arith.constant 365 : i32
        %max3A_491 = vector.broadcast %jit3A_489 : i32 to vector<16xi32>
        %max3A_492 = arith.maxsi %max3A_491, %get3A_488 : vector<16xi32>
        %min3A_493 = vector.broadcast %jit3A_490 : i32 to vector<16xi32>
        %min3A_494 = arith.minsi %min3A_493, %max3A_492 : vector<16xi32>
        %add3A_495 = arith.constant 1064 : i32
        %add3A_496 = vector.broadcast %add3A_495 : i32 to vector<16xi32>
        %add3A_497 = arith.addi %min3A_494, %add3A_496 : vector<16xi32>
        %swap3A_498 = arith.constant 80 : index
        %swap3A_499 = tpu.vector_load %arg12[%swap3A_498] {strides = array<i32>} : memref<160xi32, #tpu.memory_space<vmem>>, vector<16xi32>,
        tpu.vector_store %arg12[%swap3A_498], %add3A_497 {strides = array<i32>} : memref<160xi32, #tpu.memory_space<vmem>>, vector<16xi32>,
        %add3A_500 = arith.constant 16 : i32
        %add3A_501 = arith.addi %mul3A_461, %add3A_500 : i32
        %get3A_502 = arith.index_cast %add3A_501 : i32 to index
        %get3A_503 = tpu.vector_load %arg8[%get3A_502] {strides = array<i32>} : memref<2240xi32, #tpu.memory_space<vmem>>, vector<16xi32>,
        %jit3A_504 = arith.constant 0 : i32
        %jit3A_505 = arith.constant 999 : i32
        %max3A_506 = vector.broadcast %jit3A_504 : i32 to vector<16xi32>
        %max3A_507 = arith.maxsi %max3A_506, %get3A_503 : vector<16xi32>
        %min3A_508 = vector.broadcast %jit3A_505 : i32 to vector<16xi32>
        %min3A_509 = arith.minsi %min3A_508, %max3A_507 : vector<16xi32>
        %swap3A_510 = arith.constant 16 : index
        %swap3A_511 = tpu.vector_load %arg10[%swap3A_510] {strides = array<i32>} : memref<80xi32, #tpu.memory_space<vmem>>, vector<16xi32>,
        tpu.vector_store %arg10[%swap3A_510], %min3A_509 {strides = array<i32>} : memref<80xi32, #tpu.memory_space<vmem>>, vector<16xi32>,
        %get3A_512 = arith.index_cast %add3A_501 : i32 to index
        %get3A_513 = tpu.vector_load %arg9[%get3A_512] {strides = array<i32>} : memref<2240xi32, #tpu.memory_space<vmem>>, vector<16xi32>,
        %jit3A_514 = arith.constant 0 : i32
        %jit3A_515 = arith.constant 59 : i32
        %max3A_516 = vector.broadcast %jit3A_514 : i32 to vector<16xi32>
        %max3A_517 = arith.maxsi %max3A_516, %get3A_513 : vector<16xi32>
        %min3A_518 = vector.broadcast %jit3A_515 : i32 to vector<16xi32>
        %min3A_519 = arith.minsi %min3A_518, %max3A_517 : vector<16xi32>
        %add3A_520 = arith.constant 1000 : i32
        %add3A_521 = vector.broadcast %add3A_520 : i32 to vector<16xi32>
        %add3A_522 = arith.addi %min3A_519, %add3A_521 : vector<16xi32>
        %swap3A_523 = arith.constant 16 : index
        %swap3A_524 = tpu.vector_load %arg12[%swap3A_523] {strides = array<i32>} : memref<160xi32, #tpu.memory_space<vmem>>, vector<16xi32>,
        tpu.vector_store %arg12[%swap3A_523], %add3A_522 {strides = array<i32>} : memref<160xi32, #tpu.memory_space<vmem>>, vector<16xi32>,
        %get3A_525 = arith.index_cast %add3A_501 : i32 to index
        %get3A_526 = tpu.vector_load %arg7[%get3A_525] {strides = array<i32>} : memref<2240xi32, #tpu.memory_space<vmem>>, vector<16xi32>,
        %jit3A_527 = arith.constant 0 : i32
        %jit3A_528 = arith.constant 365 : i32
        %max3A_529 = vector.broadcast %jit3A_527 : i32 to vector<16xi32>
        %max3A_530 = arith.maxsi %max3A_529, %get3A_526 : vector<16xi32>
        %min3A_531 = vector.broadcast %jit3A_528 : i32 to vector<16xi32>
        %min3A_532 = arith.minsi %min3A_531, %max3A_530 : vector<16xi32>
        %add3A_533 = arith.constant 1064 : i32
        %add3A_534 = vector.broadcast %add3A_533 : i32 to vector<16xi32>
        %add3A_535 = arith.addi %min3A_532, %add3A_534 : vector<16xi32>
        %swap3A_536 = arith.constant 96 : index
        %swap3A_537 = tpu.vector_load %arg12[%swap3A_536] {strides = array<i32>} : memref<160xi32, #tpu.memory_space<vmem>>, vector<16xi32>,
        tpu.vector_store %arg12[%swap3A_536], %add3A_535 {strides = array<i32>} : memref<160xi32, #tpu.memory_space<vmem>>, vector<16xi32>,
        %add3A_538 = arith.constant 32 : i32
        %add3A_539 = arith.addi %mul3A_461, %add3A_538 : i32
        %get3A_540 = arith.index_cast %add3A_539 : i32 to index
        %get3A_541 = tpu.vector_load %arg8[%get3A_540] {strides = array<i32>} : memref<2240xi32, #tpu.memory_space<vmem>>, vector<16xi32>,
        %jit3A_542 = arith.constant 0 : i32
        %jit3A_543 = arith.constant 999 : i32
        %max3A_544 = vector.broadcast %jit3A_542 : i32 to vector<16xi32>
        %max3A_545 = arith.maxsi %max3A_544, %get3A_541 : vector<16xi32>
        %min3A_546 = vector.broadcast %jit3A_543 : i32 to vector<16xi32>
        %min3A_547 = arith.minsi %min3A_546, %max3A_545 : vector<16xi32>
        %swap3A_548 = arith.constant 32 : index
        %swap3A_549 = tpu.vector_load %arg10[%swap3A_548] {strides = array<i32>} : memref<80xi32, #tpu.memory_space<vmem>>, vector<16xi32>,
        tpu.vector_store %arg10[%swap3A_548], %min3A_547 {strides = array<i32>} : memref<80xi32, #tpu.memory_space<vmem>>, vector<16xi32>,
        %get3A_550 = arith.index_cast %add3A_539 : i32 to index
        %get3A_551 = tpu.vector_load %arg9[%get3A_550] {strides = array<i32>} : memref<2240xi32, #tpu.memory_space<vmem>>, vector<16xi32>,
        %jit3A_552 = arith.constant 0 : i32
        %jit3A_553 = arith.constant 59 : i32
        %max3A_554 = vector.broadcast %jit3A_552 : i32 to vector<16xi32>
        %max3A_555 = arith.maxsi %max3A_554, %get3A_551 : vector<16xi32>
        %min3A_556 = vector.broadcast %jit3A_553 : i32 to vector<16xi32>
        %min3A_557 = arith.minsi %min3A_556, %max3A_555 : vector<16xi32>
        %add3A_558 = arith.constant 1000 : i32
        %add3A_559 = vector.broadcast %add3A_558 : i32 to vector<16xi32>
        %add3A_560 = arith.addi %min3A_557, %add3A_559 : vector<16xi32>
        %swap3A_561 = arith.constant 32 : index
        %swap3A_562 = tpu.vector_load %arg12[%swap3A_561] {strides = array<i32>} : memref<160xi32, #tpu.memory_space<vmem>>, vector<16xi32>,
        tpu.vector_store %arg12[%swap3A_561], %add3A_560 {strides = array<i32>} : memref<160xi32, #tpu.memory_space<vmem>>, vector<16xi32>,
        %get3A_563 = arith.index_cast %add3A_539 : i32 to index
        %get3A_564 = tpu.vector_load %arg7[%get3A_563] {strides = array<i32>} : memref<2240xi32, #tpu.memory_space<vmem>>, vector<16xi32>,
        %jit3A_565 = arith.constant 0 : i32
        %jit3A_566 = arith.constant 365 : i32
        %max3A_567 = vector.broadcast %jit3A_565 : i32 to vector<16xi32>
        %max3A_568 = arith.maxsi %max3A_567, %get3A_564 : vector<16xi32>
        %min3A_569 = vector.broadcast %jit3A_566 : i32 to vector<16xi32>
        %min3A_570 = arith.minsi %min3A_569, %max3A_568 : vector<16xi32>
        %add3A_571 = arith.constant 1064 : i32
        %add3A_572 = vector.broadcast %add3A_571 : i32 to vector<16xi32>
        %add3A_573 = arith.addi %min3A_570, %add3A_572 : vector<16xi32>
        %swap3A_574 = arith.constant 112 : index
        %swap3A_575 = tpu.vector_load %arg12[%swap3A_574] {strides = array<i32>} : memref<160xi32, #tpu.memory_space<vmem>>, vector<16xi32>,
        tpu.vector_store %arg12[%swap3A_574], %add3A_573 {strides = array<i32>} : memref<160xi32, #tpu.memory_space<vmem>>, vector<16xi32>,
        %add3A_576 = arith.constant 48 : i32
        %add3A_577 = arith.addi %mul3A_461, %add3A_576 : i32
        %get3A_578 = arith.index_cast %add3A_577 : i32 to index
        %get3A_579 = tpu.vector_load %arg8[%get3A_578] {strides = array<i32>} : memref<2240xi32, #tpu.memory_space<vmem>>, vector<16xi32>,
        %jit3A_580 = arith.constant 0 : i32
        %jit3A_581 = arith.constant 999 : i32
        %max3A_582 = vector.broadcast %jit3A_580 : i32 to vector<16xi32>
        %max3A_583 = arith.maxsi %max3A_582, %get3A_579 : vector<16xi32>
        %min3A_584 = vector.broadcast %jit3A_581 : i32 to vector<16xi32>
        %min3A_585 = arith.minsi %min3A_584, %max3A_583 : vector<16xi32>
        %swap3A_586 = arith.constant 48 : index
        %swap3A_587 = tpu.vector_load %arg10[%swap3A_586] {strides = array<i32>} : memref<80xi32, #tpu.memory_space<vmem>>, vector<16xi32>,
        tpu.vector_store %arg10[%swap3A_586], %min3A_585 {strides = array<i32>} : memref<80xi32, #tpu.memory_space<vmem>>, vector<16xi32>,
        %get3A_588 = arith.index_cast %add3A_577 : i32 to index
        %get3A_589 = tpu.vector_load %arg9[%get3A_588] {strides = array<i32>} : memref<2240xi32, #tpu.memory_space<vmem>>, vector<16xi32>,
        %jit3A_590 = arith.constant 0 : i32
        %jit3A_591 = arith.constant 59 : i32
        %max3A_592 = vector.broadcast %jit3A_590 : i32 to vector<16xi32>
        %max3A_593 = arith.maxsi %max3A_592, %get3A_589 : vector<16xi32>
        %min3A_594 = vector.broadcast %jit3A_591 : i32 to vector<16xi32>
        %min3A_595 = arith.minsi %min3A_594, %max3A_593 : vector<16xi32>
        %add3A_596 = arith.constant 1000 : i32
        %add3A_597 = vector.broadcast %add3A_596 : i32 to vector<16xi32>
        %add3A_598 = arith.addi %min3A_595, %add3A_597 : vector<16xi32>
        %swap3A_599 = arith.constant 48 : index
        %swap3A_600 = tpu.vector_load %arg12[%swap3A_599] {strides = array<i32>} : memref<160xi32, #tpu.memory_space<vmem>>, vector<16xi32>,
        tpu.vector_store %arg12[%swap3A_599], %add3A_598 {strides = array<i32>} : memref<160xi32, #tpu.memory_space<vmem>>, vector<16xi32>,
        %get3A_601 = arith.index_cast %add3A_577 : i32 to index
        %get3A_602 = tpu.vector_load %arg7[%get3A_601] {strides = array<i32>} : memref<2240xi32, #tpu.memory_space<vmem>>, vector<16xi32>,
        %jit3A_603 = arith.constant 0 : i32
        %jit3A_604 = arith.constant 365 : i32
        %max3A_605 = vector.broadcast %jit3A_603 : i32 to vector<16xi32>
        %max3A_606 = arith.maxsi %max3A_605, %get3A_602 : vector<16xi32>
        %min3A_607 = vector.broadcast %jit3A_604 : i32 to vector<16xi32>
        %min3A_608 = arith.minsi %min3A_607, %max3A_606 : vector<16xi32>
        %add3A_609 = arith.constant 1064 : i32
        %add3A_610 = vector.broadcast %add3A_609 : i32 to vector<16xi32>
        %add3A_611 = arith.addi %min3A_608, %add3A_610 : vector<16xi32>
        %swap3A_612 = arith.constant 128 : index
        %swap3A_613 = tpu.vector_load %arg12[%swap3A_612] {strides = array<i32>} : memref<160xi32, #tpu.memory_space<vmem>>, vector<16xi32>,
        tpu.vector_store %arg12[%swap3A_612], %add3A_611 {strides = array<i32>} : memref<160xi32, #tpu.memory_space<vmem>>, vector<16xi32>,
        %add3A_614 = arith.constant 64 : i32
        %add3A_615 = arith.addi %mul3A_461, %add3A_614 : i32
        %get3A_616 = arith.index_cast %add3A_615 : i32 to index
        %get3A_617 = tpu.vector_load %arg8[%get3A_616] {strides = array<i32>} : memref<2240xi32, #tpu.memory_space<vmem>>, vector<16xi32>,
        %jit3A_618 = arith.constant 0 : i32
        %jit3A_619 = arith.constant 999 : i32
        %max3A_620 = vector.broadcast %jit3A_618 : i32 to vector<16xi32>
        %max3A_621 = arith.maxsi %max3A_620, %get3A_617 : vector<16xi32>
        %min3A_622 = vector.broadcast %jit3A_619 : i32 to vector<16xi32>
        %min3A_623 = arith.minsi %min3A_622, %max3A_621 : vector<16xi32>
        %swap3A_624 = arith.constant 64 : index
        %swap3A_625 = tpu.vector_load %arg10[%swap3A_624] {strides = array<i32>} : memref<80xi32, #tpu.memory_space<vmem>>, vector<16xi32>,
        tpu.vector_store %arg10[%swap3A_624], %min3A_623 {strides = array<i32>} : memref<80xi32, #tpu.memory_space<vmem>>, vector<16xi32>,
        %get3A_626 = arith.index_cast %add3A_615 : i32 to index
        %get3A_627 = tpu.vector_load %arg9[%get3A_626] {strides = array<i32>} : memref<2240xi32, #tpu.memory_space<vmem>>, vector<16xi32>,
        %jit3A_628 = arith.constant 0 : i32
        %jit3A_629 = arith.constant 59 : i32
        %max3A_630 = vector.broadcast %jit3A_628 : i32 to vector<16xi32>
        %max3A_631 = arith.maxsi %max3A_630, %get3A_627 : vector<16xi32>
        %min3A_632 = vector.broadcast %jit3A_629 : i32 to vector<16xi32>
        %min3A_633 = arith.minsi %min3A_632, %max3A_631 : vector<16xi32>
        %add3A_634 = arith.constant 1000 : i32
        %add3A_635 = vector.broadcast %add3A_634 : i32 to vector<16xi32>
        %add3A_636 = arith.addi %min3A_633, %add3A_635 : vector<16xi32>
        %swap3A_637 = arith.constant 64 : index
        %swap3A_638 = tpu.vector_load %arg12[%swap3A_637] {strides = array<i32>} : memref<160xi32, #tpu.memory_space<vmem>>, vector<16xi32>,
        tpu.vector_store %arg12[%swap3A_637], %add3A_636 {strides = array<i32>} : memref<160xi32, #tpu.memory_space<vmem>>, vector<16xi32>,
        %get3A_639 = arith.index_cast %add3A_615 : i32 to index
        %get3A_640 = tpu.vector_load %arg7[%get3A_639] {strides = array<i32>} : memref<2240xi32, #tpu.memory_space<vmem>>, vector<16xi32>,
        %jit3A_641 = arith.constant 0 : i32
        %jit3A_642 = arith.constant 365 : i32
        %max3A_643 = vector.broadcast %jit3A_641 : i32 to vector<16xi32>
        %max3A_644 = arith.maxsi %max3A_643, %get3A_640 : vector<16xi32>
        %min3A_645 = vector.broadcast %jit3A_642 : i32 to vector<16xi32>
        %min3A_646 = arith.minsi %min3A_645, %max3A_644 : vector<16xi32>
        %add3A_647 = arith.constant 1064 : i32
        %add3A_648 = vector.broadcast %add3A_647 : i32 to vector<16xi32>
        %add3A_649 = arith.addi %min3A_646, %add3A_648 : vector<16xi32>
        %swap3A_650 = arith.constant 144 : index
        %swap3A_651 = tpu.vector_load %arg12[%swap3A_650] {strides = array<i32>} : memref<160xi32, #tpu.memory_space<vmem>>, vector<16xi32>,
        tpu.vector_store %arg12[%swap3A_650], %add3A_649 {strides = array<i32>} : memref<160xi32, #tpu.memory_space<vmem>>, vector<16xi32>,
        %dma_start3A_652 = arith.constant 0 : i32
        %dma_start3A_653 = arith.constant 0 : i32
        %dma_start3A_654 = tpu.memref_slice %arg2[%dma_start3A_652, %dma_start3A_653] : memref<1432x128xi32, #tpu.memory_space<hbm>> -> memref<1432x128xi32, #tpu.memory_space<hbm>>
        tpu.enqueue_indirect_dma source(%dma_start3A_654 : memref<1432x128xi32, #tpu.memory_space<hbm>>) target(%arg14 : memref<80x128xi32, #tpu.memory_space<vmem>>) offsets(%arg10 : memref<80xi32, #tpu.memory_space<vmem>>) semaphore(%arg20 : memref<!tpu.dma_semaphore, #tpu.memory_space<semaphore_mem>>)
        %dma_start3A_655 = arith.constant 0 : i32
        %dma_start3A_656 = arith.constant 0 : i32
        %dma_start3A_657 = tpu.memref_slice %arg2[%dma_start3A_655, %dma_start3A_656] : memref<1432x128xi32, #tpu.memory_space<hbm>> -> memref<1432x128xi32, #tpu.memory_space<hbm>>
        tpu.enqueue_indirect_dma source(%dma_start3A_657 : memref<1432x128xi32, #tpu.memory_space<hbm>>) target(%arg16 : memref<160x128xi32, #tpu.memory_space<vmem>>) offsets(%arg12 : memref<160xi32, #tpu.memory_space<vmem>>) semaphore(%arg22 : memref<!tpu.dma_semaphore, #tpu.memory_space<semaphore_mem>>)
      } else {
      }
      %dma_wait3A_426 = arith.constant 0 : i32
      %dma_wait3A_427 = arith.constant 0 : i32
      %dma_wait3A_428 = tpu.memref_slice %arg2[%dma_wait3A_426, %dma_wait3A_427] : memref<1432x128xi32, #tpu.memory_space<hbm>> -> memref<1432x128xi32, #tpu.memory_space<hbm>>
      tpu.wait_indirect_dma semaphore(%arg21 : memref<!tpu.dma_semaphore, #tpu.memory_space<semaphore_mem>>) src(%dma_wait3A_428 : memref<1432x128xi32, #tpu.memory_space<hbm>>) dst(%arg15 : memref<80x128xi32, #tpu.memory_space<vmem>>)
      %dma_wait3A_429 = arith.constant 0 : i32
      %dma_wait3A_430 = arith.constant 0 : i32
      %dma_wait3A_431 = tpu.memref_slice %arg2[%dma_wait3A_429, %dma_wait3A_430] : memref<1432x128xi32, #tpu.memory_space<hbm>> -> memref<1432x128xi32, #tpu.memory_space<hbm>>
      tpu.wait_indirect_dma semaphore(%arg23 : memref<!tpu.dma_semaphore, #tpu.memory_space<semaphore_mem>>) src(%dma_wait3A_431 : memref<1432x128xi32, #tpu.memory_space<hbm>>) dst(%arg17 : memref<160x128xi32, #tpu.memory_space<vmem>>)
      %gt3A_432 = arith.constant 0 : i32
      %gt3A_433 = arith.cmpi sgt, %scan3A_195, %gt3A_432 : i32
      %convert_element_type3A_434 = arith.extui %gt3A_433 : i1 to i32
      %cond3A_435 = arith.constant 0 : i32
      %cond3A_436 = arith.cmpi ne, %convert_element_type3A_434, %cond3A_435 : i32
      scf.if %cond3A_436 {
        %dma_wait3A_456 = arith.constant 0 : i32
        %dma_wait3A_457 = tpu.memref_slice %arg6[%mul3A_2, %dma_wait3A_456] : memref<71680x256xf32, #tpu.memory_space<hbm>> -> memref<80x256xf32, #tpu.memory_space<hbm>>
        %dma_wait3A_458 = arith.constant 0 : i32
        %dma_wait3A_459 = tpu.memref_slice %arg6[%mul3A_2, %dma_wait3A_458] : memref<71680x256xf32, #tpu.memory_space<hbm>> -> memref<80x256xf32, #tpu.memory_space<hbm>>
        tpu.wait_dma2 semaphore(%arg25 : memref<!tpu.dma_semaphore, #tpu.memory_space<semaphore_mem>>) src(%arg19 : memref<80x256xf32, #tpu.memory_space<vmem>>) dst(%dma_wait3A_459 : memref<80x256xf32, #tpu.memory_space<hbm>>)
      } else {
      }
      %broadcast_in_dim3A_437 = arith.constant -65536 : i32
      %broadcast_in_dim3A_438 = vector.broadcast %broadcast_in_dim3A_437 : i32 to vector<16xi32>
      %scan3A_439 = arith.constant 0 : i32
      %scan3A_440 = arith.constant 0 : i32
      %scan3A_441 = arith.constant 80 : i32
      %scan3A_442 = arith.addi %scan3A_440, %scan3A_441 : i32
      %scan3A_443 = arith.constant 1 : i32
      scf.for %scan3A_456 = %scan3A_440 to %scan3A_442 step %scan3A_443  : i32 {
        %get3A_457 = arith.index_cast %scan3A_456 : i32 to index
        %get3A_458 = arith.constant 0 : index
        %get3A_459 = tpu.vector_load %arg15[%get3A_457, %get3A_458] {strides = array<i32>} : memref<80x128xi32, #tpu.memory_space<vmem>>, vector<16xi32>,
        %shift_left3A = arith.constant 16 : i32
        %shift_left3A_460 = vector.broadcast %shift_left3A : i32 to vector<16xi32>
        %shift_left3A_461 = arith.shli %get3A_459, %shift_left3A_460 : vector<16xi32>
        %bitcast3A = vector.bitcast %shift_left3A_461 : vector<16xi32> to vector<16xf32>
        %and3A = arith.andi %get3A_459, %broadcast_in_dim3A_438 : vector<16xi32>
        %bitcast3A_462 = vector.bitcast %and3A : vector<16xi32> to vector<16xf32>
        %get3A_463 = arith.index_cast %scan3A_456 : i32 to index
        %get3A_464 = arith.constant 0 : index
        %get3A_465 = tpu.vector_load %arg17[%get3A_463, %get3A_464] {strides = array<i32>} : memref<160x128xi32, #tpu.memory_space<vmem>>, vector<16xi32>,
        %shift_left3A_466 = arith.constant 16 : i32
        %shift_left3A_467 = vector.broadcast %shift_left3A_466 : i32 to vector<16xi32>
        %shift_left3A_468 = arith.shli %get3A_465, %shift_left3A_467 : vector<16xi32>
        %bitcast3A_469 = vector.bitcast %shift_left3A_468 : vector<16xi32> to vector<16xf32>
        %and3A_470 = arith.andi %get3A_465, %broadcast_in_dim3A_438 : vector<16xi32>
        %bitcast3A_471 = vector.bitcast %and3A_470 : vector<16xi32> to vector<16xf32>
        %add3A_472 = arith.constant 80 : i32
        %add3A_473 = arith.addi %add3A_472, %scan3A_456 : i32
        %get3A_474 = arith.index_cast %add3A_473 : i32 to index
        %get3A_475 = arith.constant 0 : index
        %get3A_476 = tpu.vector_load %arg17[%get3A_474, %get3A_475] {strides = array<i32>} : memref<160x128xi32, #tpu.memory_space<vmem>>, vector<16xi32>,
        %shift_left3A_477 = arith.constant 16 : i32
        %shift_left3A_478 = vector.broadcast %shift_left3A_477 : i32 to vector<16xi32>
        %shift_left3A_479 = arith.shli %get3A_476, %shift_left3A_478 : vector<16xi32>
        %bitcast3A_480 = vector.bitcast %shift_left3A_479 : vector<16xi32> to vector<16xf32>
        %and3A_481 = arith.andi %get3A_476, %broadcast_in_dim3A_438 : vector<16xi32>
        %bitcast3A_482 = vector.bitcast %and3A_481 : vector<16xi32> to vector<16xf32>
        %add3A_483 = arith.addf %bitcast3A, %bitcast3A_469 : vector<16xf32>
        %add3A_484 = arith.addf %add3A_483, %bitcast3A_480 : vector<16xf32>
        %swap3A_485 = arith.index_cast %scan3A_456 : i32 to index
        %swap3A_486 = arith.constant 0 : index
        %swap3A_487 = tpu.vector_load %arg19[%swap3A_485, %swap3A_486] {strides = array<i32>} : memref<80x256xf32, #tpu.memory_space<vmem>>, vector<16xf32>,
        tpu.vector_store %arg19[%swap3A_485, %swap3A_486], %add3A_484 {strides = array<i32>} : memref<80x256xf32, #tpu.memory_space<vmem>>, vector<16xf32>,
        %add3A_488 = arith.addf %bitcast3A_462, %bitcast3A_471 : vector<16xf32>
        %add3A_489 = arith.addf %add3A_488, %bitcast3A_482 : vector<16xf32>
        %swap3A_490 = arith.index_cast %scan3A_456 : i32 to index
        %swap3A_491 = arith.constant 16 : index
        %swap3A_492 = tpu.vector_load %arg19[%swap3A_490, %swap3A_491] {strides = array<i32>} : memref<80x256xf32, #tpu.memory_space<vmem>>, vector<16xf32>,
        tpu.vector_store %arg19[%swap3A_490, %swap3A_491], %add3A_489 {strides = array<i32>} : memref<80x256xf32, #tpu.memory_space<vmem>>, vector<16xf32>,
        %get3A_493 = arith.index_cast %scan3A_456 : i32 to index
        %get3A_494 = arith.constant 16 : index
        %get3A_495 = tpu.vector_load %arg15[%get3A_493, %get3A_494] {strides = array<i32>} : memref<80x128xi32, #tpu.memory_space<vmem>>, vector<16xi32>,
        %shift_left3A_496 = arith.constant 16 : i32
        %shift_left3A_497 = vector.broadcast %shift_left3A_496 : i32 to vector<16xi32>
        %shift_left3A_498 = arith.shli %get3A_495, %shift_left3A_497 : vector<16xi32>
        %bitcast3A_499 = vector.bitcast %shift_left3A_498 : vector<16xi32> to vector<16xf32>
        %and3A_500 = arith.andi %get3A_495, %broadcast_in_dim3A_438 : vector<16xi32>
        %bitcast3A_501 = vector.bitcast %and3A_500 : vector<16xi32> to vector<16xf32>
        %get3A_502 = arith.index_cast %scan3A_456 : i32 to index
        %get3A_503 = arith.constant 16 : index
        %get3A_504 = tpu.vector_load %arg17[%get3A_502, %get3A_503] {strides = array<i32>} : memref<160x128xi32, #tpu.memory_space<vmem>>, vector<16xi32>,
        %shift_left3A_505 = arith.constant 16 : i32
        %shift_left3A_506 = vector.broadcast %shift_left3A_505 : i32 to vector<16xi32>
        %shift_left3A_507 = arith.shli %get3A_504, %shift_left3A_506 : vector<16xi32>
        %bitcast3A_508 = vector.bitcast %shift_left3A_507 : vector<16xi32> to vector<16xf32>
        %and3A_509 = arith.andi %get3A_504, %broadcast_in_dim3A_438 : vector<16xi32>
        %bitcast3A_510 = vector.bitcast %and3A_509 : vector<16xi32> to vector<16xf32>
        %add3A_511 = arith.constant 80 : i32
        %add3A_512 = arith.addi %add3A_511, %scan3A_456 : i32
        %get3A_513 = arith.index_cast %add3A_512 : i32 to index
        %get3A_514 = arith.constant 16 : index
        %get3A_515 = tpu.vector_load %arg17[%get3A_513, %get3A_514] {strides = array<i32>} : memref<160x128xi32, #tpu.memory_space<vmem>>, vector<16xi32>,
        %shift_left3A_516 = arith.constant 16 : i32
        %shift_left3A_517 = vector.broadcast %shift_left3A_516 : i32 to vector<16xi32>
        %shift_left3A_518 = arith.shli %get3A_515, %shift_left3A_517 : vector<16xi32>
        %bitcast3A_519 = vector.bitcast %shift_left3A_518 : vector<16xi32> to vector<16xf32>
        %and3A_520 = arith.andi %get3A_515, %broadcast_in_dim3A_438 : vector<16xi32>
        %bitcast3A_521 = vector.bitcast %and3A_520 : vector<16xi32> to vector<16xf32>
        %add3A_522 = arith.addf %bitcast3A_499, %bitcast3A_508 : vector<16xf32>
        %add3A_523 = arith.addf %add3A_522, %bitcast3A_519 : vector<16xf32>
        %swap3A_524 = arith.index_cast %scan3A_456 : i32 to index
        %swap3A_525 = arith.constant 32 : index
        %swap3A_526 = tpu.vector_load %arg19[%swap3A_524, %swap3A_525] {strides = array<i32>} : memref<80x256xf32, #tpu.memory_space<vmem>>, vector<16xf32>,
        tpu.vector_store %arg19[%swap3A_524, %swap3A_525], %add3A_523 {strides = array<i32>} : memref<80x256xf32, #tpu.memory_space<vmem>>, vector<16xf32>,
        %add3A_527 = arith.addf %bitcast3A_501, %bitcast3A_510 : vector<16xf32>
        %add3A_528 = arith.addf %add3A_527, %bitcast3A_521 : vector<16xf32>
        %swap3A_529 = arith.index_cast %scan3A_456 : i32 to index
        %swap3A_530 = arith.constant 48 : index
        %swap3A_531 = tpu.vector_load %arg19[%swap3A_529, %swap3A_530] {strides = array<i32>} : memref<80x256xf32, #tpu.memory_space<vmem>>, vector<16xf32>,
        tpu.vector_store %arg19[%swap3A_529, %swap3A_530], %add3A_528 {strides = array<i32>} : memref<80x256xf32, #tpu.memory_space<vmem>>, vector<16xf32>,
        %get3A_532 = arith.index_cast %scan3A_456 : i32 to index
        %get3A_533 = arith.constant 32 : index
        %get3A_534 = tpu.vector_load %arg15[%get3A_532, %get3A_533] {strides = array<i32>} : memref<80x128xi32, #tpu.memory_space<vmem>>, vector<16xi32>,
        %shift_left3A_535 = arith.constant 16 : i32
        %shift_left3A_536 = vector.broadcast %shift_left3A_535 : i32 to vector<16xi32>
        %shift_left3A_537 = arith.shli %get3A_534, %shift_left3A_536 : vector<16xi32>
        %bitcast3A_538 = vector.bitcast %shift_left3A_537 : vector<16xi32> to vector<16xf32>
        %and3A_539 = arith.andi %get3A_534, %broadcast_in_dim3A_438 : vector<16xi32>
        %bitcast3A_540 = vector.bitcast %and3A_539 : vector<16xi32> to vector<16xf32>
        %get3A_541 = arith.index_cast %scan3A_456 : i32 to index
        %get3A_542 = arith.constant 32 : index
        %get3A_543 = tpu.vector_load %arg17[%get3A_541, %get3A_542] {strides = array<i32>} : memref<160x128xi32, #tpu.memory_space<vmem>>, vector<16xi32>,
        %shift_left3A_544 = arith.constant 16 : i32
        %shift_left3A_545 = vector.broadcast %shift_left3A_544 : i32 to vector<16xi32>
        %shift_left3A_546 = arith.shli %get3A_543, %shift_left3A_545 : vector<16xi32>
        %bitcast3A_547 = vector.bitcast %shift_left3A_546 : vector<16xi32> to vector<16xf32>
        %and3A_548 = arith.andi %get3A_543, %broadcast_in_dim3A_438 : vector<16xi32>
        %bitcast3A_549 = vector.bitcast %and3A_548 : vector<16xi32> to vector<16xf32>
        %add3A_550 = arith.constant 80 : i32
        %add3A_551 = arith.addi %add3A_550, %scan3A_456 : i32
        %get3A_552 = arith.index_cast %add3A_551 : i32 to index
        %get3A_553 = arith.constant 32 : index
        %get3A_554 = tpu.vector_load %arg17[%get3A_552, %get3A_553] {strides = array<i32>} : memref<160x128xi32, #tpu.memory_space<vmem>>, vector<16xi32>,
        %shift_left3A_555 = arith.constant 16 : i32
        %shift_left3A_556 = vector.broadcast %shift_left3A_555 : i32 to vector<16xi32>
        %shift_left3A_557 = arith.shli %get3A_554, %shift_left3A_556 : vector<16xi32>
        %bitcast3A_558 = vector.bitcast %shift_left3A_557 : vector<16xi32> to vector<16xf32>
        %and3A_559 = arith.andi %get3A_554, %broadcast_in_dim3A_438 : vector<16xi32>
        %bitcast3A_560 = vector.bitcast %and3A_559 : vector<16xi32> to vector<16xf32>
        %add3A_561 = arith.addf %bitcast3A_538, %bitcast3A_547 : vector<16xf32>
        %add3A_562 = arith.addf %add3A_561, %bitcast3A_558 : vector<16xf32>
        %swap3A_563 = arith.index_cast %scan3A_456 : i32 to index
        %swap3A_564 = arith.constant 64 : index
        %swap3A_565 = tpu.vector_load %arg19[%swap3A_563, %swap3A_564] {strides = array<i32>} : memref<80x256xf32, #tpu.memory_space<vmem>>, vector<16xf32>,
        tpu.vector_store %arg19[%swap3A_563, %swap3A_564], %add3A_562 {strides = array<i32>} : memref<80x256xf32, #tpu.memory_space<vmem>>, vector<16xf32>,
        %add3A_566 = arith.addf %bitcast3A_540, %bitcast3A_549 : vector<16xf32>
        %add3A_567 = arith.addf %add3A_566, %bitcast3A_560 : vector<16xf32>
        %swap3A_568 = arith.index_cast %scan3A_456 : i32 to index
        %swap3A_569 = arith.constant 80 : index
        %swap3A_570 = tpu.vector_load %arg19[%swap3A_568, %swap3A_569] {strides = array<i32>} : memref<80x256xf32, #tpu.memory_space<vmem>>, vector<16xf32>,
        tpu.vector_store %arg19[%swap3A_568, %swap3A_569], %add3A_567 {strides = array<i32>} : memref<80x256xf32, #tpu.memory_space<vmem>>, vector<16xf32>,
        %get3A_571 = arith.index_cast %scan3A_456 : i32 to index
        %get3A_572 = arith.constant 48 : index
        %get3A_573 = tpu.vector_load %arg15[%get3A_571, %get3A_572] {strides = array<i32>} : memref<80x128xi32, #tpu.memory_space<vmem>>, vector<16xi32>,
        %shift_left3A_574 = arith.constant 16 : i32
        %shift_left3A_575 = vector.broadcast %shift_left3A_574 : i32 to vector<16xi32>
        %shift_left3A_576 = arith.shli %get3A_573, %shift_left3A_575 : vector<16xi32>
        %bitcast3A_577 = vector.bitcast %shift_left3A_576 : vector<16xi32> to vector<16xf32>
        %and3A_578 = arith.andi %get3A_573, %broadcast_in_dim3A_438 : vector<16xi32>
        %bitcast3A_579 = vector.bitcast %and3A_578 : vector<16xi32> to vector<16xf32>
        %get3A_580 = arith.index_cast %scan3A_456 : i32 to index
        %get3A_581 = arith.constant 48 : index
        %get3A_582 = tpu.vector_load %arg17[%get3A_580, %get3A_581] {strides = array<i32>} : memref<160x128xi32, #tpu.memory_space<vmem>>, vector<16xi32>,
        %shift_left3A_583 = arith.constant 16 : i32
        %shift_left3A_584 = vector.broadcast %shift_left3A_583 : i32 to vector<16xi32>
        %shift_left3A_585 = arith.shli %get3A_582, %shift_left3A_584 : vector<16xi32>
        %bitcast3A_586 = vector.bitcast %shift_left3A_585 : vector<16xi32> to vector<16xf32>
        %and3A_587 = arith.andi %get3A_582, %broadcast_in_dim3A_438 : vector<16xi32>
        %bitcast3A_588 = vector.bitcast %and3A_587 : vector<16xi32> to vector<16xf32>
        %add3A_589 = arith.constant 80 : i32
        %add3A_590 = arith.addi %add3A_589, %scan3A_456 : i32
        %get3A_591 = arith.index_cast %add3A_590 : i32 to index
        %get3A_592 = arith.constant 48 : index
        %get3A_593 = tpu.vector_load %arg17[%get3A_591, %get3A_592] {strides = array<i32>} : memref<160x128xi32, #tpu.memory_space<vmem>>, vector<16xi32>,
        %shift_left3A_594 = arith.constant 16 : i32
        %shift_left3A_595 = vector.broadcast %shift_left3A_594 : i32 to vector<16xi32>
        %shift_left3A_596 = arith.shli %get3A_593, %shift_left3A_595 : vector<16xi32>
        %bitcast3A_597 = vector.bitcast %shift_left3A_596 : vector<16xi32> to vector<16xf32>
        %and3A_598 = arith.andi %get3A_593, %broadcast_in_dim3A_438 : vector<16xi32>
        %bitcast3A_599 = vector.bitcast %and3A_598 : vector<16xi32> to vector<16xf32>
        %add3A_600 = arith.addf %bitcast3A_577, %bitcast3A_586 : vector<16xf32>
        %add3A_601 = arith.addf %add3A_600, %bitcast3A_597 : vector<16xf32>
        %swap3A_602 = arith.index_cast %scan3A_456 : i32 to index
        %swap3A_603 = arith.constant 96 : index
        %swap3A_604 = tpu.vector_load %arg19[%swap3A_602, %swap3A_603] {strides = array<i32>} : memref<80x256xf32, #tpu.memory_space<vmem>>, vector<16xf32>,
        tpu.vector_store %arg19[%swap3A_602, %swap3A_603], %add3A_601 {strides = array<i32>} : memref<80x256xf32, #tpu.memory_space<vmem>>, vector<16xf32>,
        %add3A_605 = arith.addf %bitcast3A_579, %bitcast3A_588 : vector<16xf32>
        %add3A_606 = arith.addf %add3A_605, %bitcast3A_599 : vector<16xf32>
        %swap3A_607 = arith.index_cast %scan3A_456 : i32 to index
        %swap3A_608 = arith.constant 112 : index
        %swap3A_609 = tpu.vector_load %arg19[%swap3A_607, %swap3A_608] {strides = array<i32>} : memref<80x256xf32, #tpu.memory_space<vmem>>, vector<16xf32>,
        tpu.vector_store %arg19[%swap3A_607, %swap3A_608], %add3A_606 {strides = array<i32>} : memref<80x256xf32, #tpu.memory_space<vmem>>, vector<16xf32>,
        %get3A_610 = arith.index_cast %scan3A_456 : i32 to index
        %get3A_611 = arith.constant 64 : index
        %get3A_612 = tpu.vector_load %arg15[%get3A_610, %get3A_611] {strides = array<i32>} : memref<80x128xi32, #tpu.memory_space<vmem>>, vector<16xi32>,
        %shift_left3A_613 = arith.constant 16 : i32
        %shift_left3A_614 = vector.broadcast %shift_left3A_613 : i32 to vector<16xi32>
        %shift_left3A_615 = arith.shli %get3A_612, %shift_left3A_614 : vector<16xi32>
        %bitcast3A_616 = vector.bitcast %shift_left3A_615 : vector<16xi32> to vector<16xf32>
        %and3A_617 = arith.andi %get3A_612, %broadcast_in_dim3A_438 : vector<16xi32>
        %bitcast3A_618 = vector.bitcast %and3A_617 : vector<16xi32> to vector<16xf32>
        %get3A_619 = arith.index_cast %scan3A_456 : i32 to index
        %get3A_620 = arith.constant 64 : index
        %get3A_621 = tpu.vector_load %arg17[%get3A_619, %get3A_620] {strides = array<i32>} : memref<160x128xi32, #tpu.memory_space<vmem>>, vector<16xi32>,
        %shift_left3A_622 = arith.constant 16 : i32
        %shift_left3A_623 = vector.broadcast %shift_left3A_622 : i32 to vector<16xi32>
        %shift_left3A_624 = arith.shli %get3A_621, %shift_left3A_623 : vector<16xi32>
        %bitcast3A_625 = vector.bitcast %shift_left3A_624 : vector<16xi32> to vector<16xf32>
        %and3A_626 = arith.andi %get3A_621, %broadcast_in_dim3A_438 : vector<16xi32>
        %bitcast3A_627 = vector.bitcast %and3A_626 : vector<16xi32> to vector<16xf32>
        %add3A_628 = arith.constant 80 : i32
        %add3A_629 = arith.addi %add3A_628, %scan3A_456 : i32
        %get3A_630 = arith.index_cast %add3A_629 : i32 to index
        %get3A_631 = arith.constant 64 : index
        %get3A_632 = tpu.vector_load %arg17[%get3A_630, %get3A_631] {strides = array<i32>} : memref<160x128xi32, #tpu.memory_space<vmem>>, vector<16xi32>,
        %shift_left3A_633 = arith.constant 16 : i32
        %shift_left3A_634 = vector.broadcast %shift_left3A_633 : i32 to vector<16xi32>
        %shift_left3A_635 = arith.shli %get3A_632, %shift_left3A_634 : vector<16xi32>
        %bitcast3A_636 = vector.bitcast %shift_left3A_635 : vector<16xi32> to vector<16xf32>
        %and3A_637 = arith.andi %get3A_632, %broadcast_in_dim3A_438 : vector<16xi32>
        %bitcast3A_638 = vector.bitcast %and3A_637 : vector<16xi32> to vector<16xf32>
        %add3A_639 = arith.addf %bitcast3A_616, %bitcast3A_625 : vector<16xf32>
        %add3A_640 = arith.addf %add3A_639, %bitcast3A_636 : vector<16xf32>
        %swap3A_641 = arith.index_cast %scan3A_456 : i32 to index
        %swap3A_642 = arith.constant 128 : index
        %swap3A_643 = tpu.vector_load %arg19[%swap3A_641, %swap3A_642] {strides = array<i32>} : memref<80x256xf32, #tpu.memory_space<vmem>>, vector<16xf32>,
        tpu.vector_store %arg19[%swap3A_641, %swap3A_642], %add3A_640 {strides = array<i32>} : memref<80x256xf32, #tpu.memory_space<vmem>>, vector<16xf32>,
        %add3A_644 = arith.addf %bitcast3A_618, %bitcast3A_627 : vector<16xf32>
        %add3A_645 = arith.addf %add3A_644, %bitcast3A_638 : vector<16xf32>
        %swap3A_646 = arith.index_cast %scan3A_456 : i32 to index
        %swap3A_647 = arith.constant 144 : index
        %swap3A_648 = tpu.vector_load %arg19[%swap3A_646, %swap3A_647] {strides = array<i32>} : memref<80x256xf32, #tpu.memory_space<vmem>>, vector<16xf32>,
        tpu.vector_store %arg19[%swap3A_646, %swap3A_647], %add3A_645 {strides = array<i32>} : memref<80x256xf32, #tpu.memory_space<vmem>>, vector<16xf32>,
        %get3A_649 = arith.index_cast %scan3A_456 : i32 to index
        %get3A_650 = arith.constant 80 : index
        %get3A_651 = tpu.vector_load %arg15[%get3A_649, %get3A_650] {strides = array<i32>} : memref<80x128xi32, #tpu.memory_space<vmem>>, vector<16xi32>,
        %shift_left3A_652 = arith.constant 16 : i32
        %shift_left3A_653 = vector.broadcast %shift_left3A_652 : i32 to vector<16xi32>
        %shift_left3A_654 = arith.shli %get3A_651, %shift_left3A_653 : vector<16xi32>
        %bitcast3A_655 = vector.bitcast %shift_left3A_654 : vector<16xi32> to vector<16xf32>
        %and3A_656 = arith.andi %get3A_651, %broadcast_in_dim3A_438 : vector<16xi32>
        %bitcast3A_657 = vector.bitcast %and3A_656 : vector<16xi32> to vector<16xf32>
        %get3A_658 = arith.index_cast %scan3A_456 : i32 to index
        %get3A_659 = arith.constant 80 : index
        %get3A_660 = tpu.vector_load %arg17[%get3A_658, %get3A_659] {strides = array<i32>} : memref<160x128xi32, #tpu.memory_space<vmem>>, vector<16xi32>,
        %shift_left3A_661 = arith.constant 16 : i32
        %shift_left3A_662 = vector.broadcast %shift_left3A_661 : i32 to vector<16xi32>
        %shift_left3A_663 = arith.shli %get3A_660, %shift_left3A_662 : vector<16xi32>
        %bitcast3A_664 = vector.bitcast %shift_left3A_663 : vector<16xi32> to vector<16xf32>
        %and3A_665 = arith.andi %get3A_660, %broadcast_in_dim3A_438 : vector<16xi32>
        %bitcast3A_666 = vector.bitcast %and3A_665 : vector<16xi32> to vector<16xf32>
        %add3A_667 = arith.constant 80 : i32
        %add3A_668 = arith.addi %add3A_667, %scan3A_456 : i32
        %get3A_669 = arith.index_cast %add3A_668 : i32 to index
        %get3A_670 = arith.constant 80 : index
        %get3A_671 = tpu.vector_load %arg17[%get3A_669, %get3A_670] {strides = array<i32>} : memref<160x128xi32, #tpu.memory_space<vmem>>, vector<16xi32>,
        %shift_left3A_672 = arith.constant 16 : i32
        %shift_left3A_673 = vector.broadcast %shift_left3A_672 : i32 to vector<16xi32>
        %shift_left3A_674 = arith.shli %get3A_671, %shift_left3A_673 : vector<16xi32>
        %bitcast3A_675 = vector.bitcast %shift_left3A_674 : vector<16xi32> to vector<16xf32>
        %and3A_676 = arith.andi %get3A_671, %broadcast_in_dim3A_438 : vector<16xi32>
        %bitcast3A_677 = vector.bitcast %and3A_676 : vector<16xi32> to vector<16xf32>
        %add3A_678 = arith.addf %bitcast3A_655, %bitcast3A_664 : vector<16xf32>
        %add3A_679 = arith.addf %add3A_678, %bitcast3A_675 : vector<16xf32>
        %swap3A_680 = arith.index_cast %scan3A_456 : i32 to index
        %swap3A_681 = arith.constant 160 : index
        %swap3A_682 = tpu.vector_load %arg19[%swap3A_680, %swap3A_681] {strides = array<i32>} : memref<80x256xf32, #tpu.memory_space<vmem>>, vector<16xf32>,
        tpu.vector_store %arg19[%swap3A_680, %swap3A_681], %add3A_679 {strides = array<i32>} : memref<80x256xf32, #tpu.memory_space<vmem>>, vector<16xf32>,
        %add3A_683 = arith.addf %bitcast3A_657, %bitcast3A_666 : vector<16xf32>
        %add3A_684 = arith.addf %add3A_683, %bitcast3A_677 : vector<16xf32>
        %swap3A_685 = arith.index_cast %scan3A_456 : i32 to index
        %swap3A_686 = arith.constant 176 : index
        %swap3A_687 = tpu.vector_load %arg19[%swap3A_685, %swap3A_686] {strides = array<i32>} : memref<80x256xf32, #tpu.memory_space<vmem>>, vector<16xf32>,
        tpu.vector_store %arg19[%swap3A_685, %swap3A_686], %add3A_684 {strides = array<i32>} : memref<80x256xf32, #tpu.memory_space<vmem>>, vector<16xf32>,
        %get3A_688 = arith.index_cast %scan3A_456 : i32 to index
        %get3A_689 = arith.constant 96 : index
        %get3A_690 = tpu.vector_load %arg15[%get3A_688, %get3A_689] {strides = array<i32>} : memref<80x128xi32, #tpu.memory_space<vmem>>, vector<16xi32>,
        %shift_left3A_691 = arith.constant 16 : i32
        %shift_left3A_692 = vector.broadcast %shift_left3A_691 : i32 to vector<16xi32>
        %shift_left3A_693 = arith.shli %get3A_690, %shift_left3A_692 : vector<16xi32>
        %bitcast3A_694 = vector.bitcast %shift_left3A_693 : vector<16xi32> to vector<16xf32>
        %and3A_695 = arith.andi %get3A_690, %broadcast_in_dim3A_438 : vector<16xi32>
        %bitcast3A_696 = vector.bitcast %and3A_695 : vector<16xi32> to vector<16xf32>
        %get3A_697 = arith.index_cast %scan3A_456 : i32 to index
        %get3A_698 = arith.constant 96 : index
        %get3A_699 = tpu.vector_load %arg17[%get3A_697, %get3A_698] {strides = array<i32>} : memref<160x128xi32, #tpu.memory_space<vmem>>, vector<16xi32>,
        %shift_left3A_700 = arith.constant 16 : i32
        %shift_left3A_701 = vector.broadcast %shift_left3A_700 : i32 to vector<16xi32>
        %shift_left3A_702 = arith.shli %get3A_699, %shift_left3A_701 : vector<16xi32>
        %bitcast3A_703 = vector.bitcast %shift_left3A_702 : vector<16xi32> to vector<16xf32>
        %and3A_704 = arith.andi %get3A_699, %broadcast_in_dim3A_438 : vector<16xi32>
        %bitcast3A_705 = vector.bitcast %and3A_704 : vector<16xi32> to vector<16xf32>
        %add3A_706 = arith.constant 80 : i32
        %add3A_707 = arith.addi %add3A_706, %scan3A_456 : i32
        %get3A_708 = arith.index_cast %add3A_707 : i32 to index
        %get3A_709 = arith.constant 96 : index
        %get3A_710 = tpu.vector_load %arg17[%get3A_708, %get3A_709] {strides = array<i32>} : memref<160x128xi32, #tpu.memory_space<vmem>>, vector<16xi32>,
        %shift_left3A_711 = arith.constant 16 : i32
        %shift_left3A_712 = vector.broadcast %shift_left3A_711 : i32 to vector<16xi32>
        %shift_left3A_713 = arith.shli %get3A_710, %shift_left3A_712 : vector<16xi32>
        %bitcast3A_714 = vector.bitcast %shift_left3A_713 : vector<16xi32> to vector<16xf32>
        %and3A_715 = arith.andi %get3A_710, %broadcast_in_dim3A_438 : vector<16xi32>
        %bitcast3A_716 = vector.bitcast %and3A_715 : vector<16xi32> to vector<16xf32>
        %add3A_717 = arith.addf %bitcast3A_694, %bitcast3A_703 : vector<16xf32>
        %add3A_718 = arith.addf %add3A_717, %bitcast3A_714 : vector<16xf32>
        %swap3A_719 = arith.index_cast %scan3A_456 : i32 to index
        %swap3A_720 = arith.constant 192 : index
        %swap3A_721 = tpu.vector_load %arg19[%swap3A_719, %swap3A_720] {strides = array<i32>} : memref<80x256xf32, #tpu.memory_space<vmem>>, vector<16xf32>,
        tpu.vector_store %arg19[%swap3A_719, %swap3A_720], %add3A_718 {strides = array<i32>} : memref<80x256xf32, #tpu.memory_space<vmem>>, vector<16xf32>,
        %add3A_722 = arith.addf %bitcast3A_696, %bitcast3A_705 : vector<16xf32>
        %add3A_723 = arith.addf %add3A_722, %bitcast3A_716 : vector<16xf32>
        %swap3A_724 = arith.index_cast %scan3A_456 : i32 to index
        %swap3A_725 = arith.constant 208 : index
        %swap3A_726 = tpu.vector_load %arg19[%swap3A_724, %swap3A_725] {strides = array<i32>} : memref<80x256xf32, #tpu.memory_space<vmem>>, vector<16xf32>,
        tpu.vector_store %arg19[%swap3A_724, %swap3A_725], %add3A_723 {strides = array<i32>} : memref<80x256xf32, #tpu.memory_space<vmem>>, vector<16xf32>,
        %get3A_727 = arith.index_cast %scan3A_456 : i32 to index
        %get3A_728 = arith.constant 112 : index
        %get3A_729 = tpu.vector_load %arg15[%get3A_727, %get3A_728] {strides = array<i32>} : memref<80x128xi32, #tpu.memory_space<vmem>>, vector<16xi32>,
        %shift_left3A_730 = arith.constant 16 : i32
        %shift_left3A_731 = vector.broadcast %shift_left3A_730 : i32 to vector<16xi32>
        %shift_left3A_732 = arith.shli %get3A_729, %shift_left3A_731 : vector<16xi32>
        %bitcast3A_733 = vector.bitcast %shift_left3A_732 : vector<16xi32> to vector<16xf32>
        %and3A_734 = arith.andi %get3A_729, %broadcast_in_dim3A_438 : vector<16xi32>
        %bitcast3A_735 = vector.bitcast %and3A_734 : vector<16xi32> to vector<16xf32>
        %get3A_736 = arith.index_cast %scan3A_456 : i32 to index
        %get3A_737 = arith.constant 112 : index
        %get3A_738 = tpu.vector_load %arg17[%get3A_736, %get3A_737] {strides = array<i32>} : memref<160x128xi32, #tpu.memory_space<vmem>>, vector<16xi32>,
        %shift_left3A_739 = arith.constant 16 : i32
        %shift_left3A_740 = vector.broadcast %shift_left3A_739 : i32 to vector<16xi32>
        %shift_left3A_741 = arith.shli %get3A_738, %shift_left3A_740 : vector<16xi32>
        %bitcast3A_742 = vector.bitcast %shift_left3A_741 : vector<16xi32> to vector<16xf32>
        %and3A_743 = arith.andi %get3A_738, %broadcast_in_dim3A_438 : vector<16xi32>
        %bitcast3A_744 = vector.bitcast %and3A_743 : vector<16xi32> to vector<16xf32>
        %add3A_745 = arith.constant 80 : i32
        %add3A_746 = arith.addi %add3A_745, %scan3A_456 : i32
        %get3A_747 = arith.index_cast %add3A_746 : i32 to index
        %get3A_748 = arith.constant 112 : index
        %get3A_749 = tpu.vector_load %arg17[%get3A_747, %get3A_748] {strides = array<i32>} : memref<160x128xi32, #tpu.memory_space<vmem>>, vector<16xi32>,
        %shift_left3A_750 = arith.constant 16 : i32
        %shift_left3A_751 = vector.broadcast %shift_left3A_750 : i32 to vector<16xi32>
        %shift_left3A_752 = arith.shli %get3A_749, %shift_left3A_751 : vector<16xi32>
        %bitcast3A_753 = vector.bitcast %shift_left3A_752 : vector<16xi32> to vector<16xf32>
        %and3A_754 = arith.andi %get3A_749, %broadcast_in_dim3A_438 : vector<16xi32>
        %bitcast3A_755 = vector.bitcast %and3A_754 : vector<16xi32> to vector<16xf32>
        %add3A_756 = arith.addf %bitcast3A_733, %bitcast3A_742 : vector<16xf32>
        %add3A_757 = arith.addf %add3A_756, %bitcast3A_753 : vector<16xf32>
        %swap3A_758 = arith.index_cast %scan3A_456 : i32 to index
        %swap3A_759 = arith.constant 224 : index
        %swap3A_760 = tpu.vector_load %arg19[%swap3A_758, %swap3A_759] {strides = array<i32>} : memref<80x256xf32, #tpu.memory_space<vmem>>, vector<16xf32>,
        tpu.vector_store %arg19[%swap3A_758, %swap3A_759], %add3A_757 {strides = array<i32>} : memref<80x256xf32, #tpu.memory_space<vmem>>, vector<16xf32>,
        %add3A_761 = arith.addf %bitcast3A_735, %bitcast3A_744 : vector<16xf32>
        %add3A_762 = arith.addf %add3A_761, %bitcast3A_755 : vector<16xf32>
        %swap3A_763 = arith.index_cast %scan3A_456 : i32 to index
        %swap3A_764 = arith.constant 240 : index
        %swap3A_765 = tpu.vector_load %arg19[%swap3A_763, %swap3A_764] {strides = array<i32>} : memref<80x256xf32, #tpu.memory_space<vmem>>, vector<16xf32>,
        tpu.vector_store %arg19[%swap3A_763, %swap3A_764], %add3A_762 {strides = array<i32>} : memref<80x256xf32, #tpu.memory_space<vmem>>, vector<16xf32>,
      }
      %scan3A_444 = arith.constant 80 : i32
      %mul3A_445 = arith.constant 2 : i32
      %mul3A_446 = arith.muli %mul3A_445, %scan3A_195 : i32
      %add3A_447 = arith.constant 1 : i32
      %add3A_448 = arith.addi %mul3A_446, %add3A_447 : i32
      %mul3A_449 = arith.constant 80 : i32
      %mul3A_450 = arith.muli %add3A_448, %mul3A_449 : i32
      %add3A_451 = arith.addi %mul3A_2, %mul3A_450 : i32
      %dma_start3A_452 = arith.constant 0 : i32
      %dma_start3A_453 = tpu.memref_slice %arg6[%add3A_451, %dma_start3A_452] : memref<71680x256xf32, #tpu.memory_space<hbm>> -> memref<80x256xf32, #tpu.memory_space<hbm>>
      %dma_start3A_454 = arith.constant 0 : i32
      %dma_start3A_455 = tpu.memref_slice %arg6[%add3A_451, %dma_start3A_454] : memref<71680x256xf32, #tpu.memory_space<hbm>> -> memref<80x256xf32, #tpu.memory_space<hbm>>
      tpu.enqueue_dma source(%arg19 : memref<80x256xf32, #tpu.memory_space<vmem>>) target(%dma_start3A_455 : memref<80x256xf32, #tpu.memory_space<hbm>>) target_semaphore(%arg25 : memref<!tpu.dma_semaphore, #tpu.memory_space<semaphore_mem>>)
    }
    %scan3A_187 = arith.constant 14 : i32
    %dma_wait3A = arith.constant 0 : i32
    %dma_wait3A_188 = tpu.memref_slice %arg6[%mul3A_2, %dma_wait3A] : memref<71680x256xf32, #tpu.memory_space<hbm>> -> memref<80x256xf32, #tpu.memory_space<hbm>>
    %dma_wait3A_189 = arith.constant 0 : i32
    %dma_wait3A_190 = tpu.memref_slice %arg6[%mul3A_2, %dma_wait3A_189] : memref<71680x256xf32, #tpu.memory_space<hbm>> -> memref<80x256xf32, #tpu.memory_space<hbm>>
    tpu.wait_dma2 semaphore(%arg24 : memref<!tpu.dma_semaphore, #tpu.memory_space<semaphore_mem>>) src(%arg18 : memref<80x256xf32, #tpu.memory_space<vmem>>) dst(%dma_wait3A_190 : memref<80x256xf32, #tpu.memory_space<hbm>>)
    %dma_wait3A_191 = arith.constant 0 : i32
    %dma_wait3A_192 = tpu.memref_slice %arg6[%mul3A_2, %dma_wait3A_191] : memref<71680x256xf32, #tpu.memory_space<hbm>> -> memref<80x256xf32, #tpu.memory_space<hbm>>
    %dma_wait3A_193 = arith.constant 0 : i32
    %dma_wait3A_194 = tpu.memref_slice %arg6[%mul3A_2, %dma_wait3A_193] : memref<71680x256xf32, #tpu.memory_space<hbm>> -> memref<80x256xf32, #tpu.memory_space<hbm>>
    tpu.wait_dma2 semaphore(%arg25 : memref<!tpu.dma_semaphore, #tpu.memory_space<semaphore_mem>>) src(%arg19 : memref<80x256xf32, #tpu.memory_space<vmem>>) dst(%dma_wait3A_194 : memref<80x256xf32, #tpu.memory_space<hbm>>)
    return
  }
}

module attributes {stable_mosaic.version = 14 : i64} {
  func.func @_proj_body(%arg0: memref<368x32xf32, #tpu.memory_space<vmem>>, %arg1: memref<1000x64xf32, #tpu.memory_space<vmem>>, %arg2: memref<64x16xf32, #tpu.memory_space<vmem>>, %arg3: memref<112x256xf32, #tpu.memory_space<vmem>>, %arg4: memref<1x256xf32, #tpu.memory_space<vmem>>, %arg5: memref<1432x256xf32, #tpu.memory_space<vmem>>) attributes {dimension_semantics = [], scalar_prefetch = 0 : i64, scratch_operands = 0 : i64, tpu.core_type = #tpu.core_type<tc>} {
    %get3A = arith.constant 0 : index
    %get3A_0 = arith.constant 0 : index
    %get3A_1 = vector.load %arg3[%get3A, %get3A_0] : memref<112x256xf32, #tpu.memory_space<vmem>>, vector<64x256xf32>
    %get3A_2 = arith.constant 64 : index
    %get3A_3 = arith.constant 0 : index
    %get3A_4 = vector.load %arg3[%get3A_2, %get3A_3] : memref<112x256xf32, #tpu.memory_space<vmem>>, vector<16x256xf32>
    %get3A_5 = arith.constant 80 : index
    %get3A_6 = arith.constant 0 : index
    %get3A_7 = vector.load %arg3[%get3A_5, %get3A_6] : memref<112x256xf32, #tpu.memory_space<vmem>>, vector<32x256xf32>
    %get3A_8 = arith.constant 0 : index
    %get3A_9 = arith.constant 0 : index
    %get3A_10 = vector.load %arg1[%get3A_8, %get3A_9] : memref<1000x64xf32, #tpu.memory_space<vmem>>, vector<1000x64xf32>
    %dot_general3A = arith.constant dense<0.000000e+00> : vector<1000x256xf32>
    %dot_general3A_11 = tpu.matmul %get3A_10, %get3A_1, %dot_general3A {dimension_numbers = #tpu.dot_dimension_numbers<[1], [0], [0], [1], [0, 0, 1, 1], [], []>, transpose_lhs_hint = false} : vector<1000x64xf32>, vector<64x256xf32>, vector<1000x256xf32> -> vector<1000x256xf32>
    %swap3A = arith.constant 0 : index
    %swap3A_12 = arith.constant 0 : index
    %swap3A_13 = vector.load %arg5[%swap3A, %swap3A_12] : memref<1432x256xf32, #tpu.memory_space<vmem>>, vector<1000x256xf32>
    tpu.vector_store %arg5[%swap3A, %swap3A_12], %dot_general3A_11 {strides = array<i32>} : memref<1432x256xf32, #tpu.memory_space<vmem>>, vector<1000x256xf32>,
    %get3A_14 = arith.constant 0 : index
    %get3A_15 = arith.constant 0 : index
    %get3A_16 = vector.load %arg2[%get3A_14, %get3A_15] : memref<64x16xf32, #tpu.memory_space<vmem>>, vector<64x16xf32>
    %dot_general3A_17 = arith.constant dense<0.000000e+00> : vector<64x256xf32>
    %dot_general3A_18 = tpu.matmul %get3A_16, %get3A_4, %dot_general3A_17 {dimension_numbers = #tpu.dot_dimension_numbers<[1], [0], [0], [1], [0, 0, 1, 1], [], []>, transpose_lhs_hint = false} : vector<64x16xf32>, vector<16x256xf32>, vector<64x256xf32> -> vector<64x256xf32>
    %get3A_19 = arith.constant 0 : index
    %get3A_20 = arith.constant 0 : index
    %get3A_21 = vector.load %arg4[%get3A_19, %get3A_20] : memref<1x256xf32, #tpu.memory_space<vmem>>, vector<1x256xf32>
    %add3A = vector.broadcast %get3A_21 : vector<1x256xf32> to vector<64x256xf32>
    %add3A_22 = arith.addf %dot_general3A_18, %add3A : vector<64x256xf32>
    %swap3A_23 = arith.constant 1000 : index
    %swap3A_24 = arith.constant 0 : index
    %swap3A_25 = vector.load %arg5[%swap3A_23, %swap3A_24] : memref<1432x256xf32, #tpu.memory_space<vmem>>, vector<64x256xf32>
    tpu.vector_store %arg5[%swap3A_23, %swap3A_24], %add3A_22 {strides = array<i32>} : memref<1432x256xf32, #tpu.memory_space<vmem>>, vector<64x256xf32>,
    %get3A_26 = arith.constant 0 : index
    %get3A_27 = arith.constant 0 : index
    %get3A_28 = vector.load %arg0[%get3A_26, %get3A_27] : memref<368x32xf32, #tpu.memory_space<vmem>>, vector<368x32xf32>
    %dot_general3A_29 = arith.constant dense<0.000000e+00> : vector<368x256xf32>
    %dot_general3A_30 = tpu.matmul %get3A_28, %get3A_7, %dot_general3A_29 {dimension_numbers = #tpu.dot_dimension_numbers<[1], [0], [0], [1], [0, 0, 1, 1], [], []>, transpose_lhs_hint = false} : vector<368x32xf32>, vector<32x256xf32>, vector<368x256xf32> -> vector<368x256xf32>
    %swap3A_31 = arith.constant 1064 : index
    %swap3A_32 = arith.constant 0 : index
    %swap3A_33 = vector.load %arg5[%swap3A_31, %swap3A_32] : memref<1432x256xf32, #tpu.memory_space<vmem>>, vector<368x256xf32>
    tpu.vector_store %arg5[%swap3A_31, %swap3A_32], %dot_general3A_30 {strides = array<i32>} : memref<1432x256xf32, #tpu.memory_space<vmem>>, vector<368x256xf32>,
    return
  }
}

module attributes {stable_mosaic.version = 14 : i64} {
  func.func @_oh_body(%arg0: i32, %arg1: memref<1x1x512xi32, #tpu.memory_space<vmem>>, %arg2: memref<1x1x512xi32, #tpu.memory_space<vmem>>, %arg3: memref<1x1x512xi32, #tpu.memory_space<vmem>>, %arg4: memref<1000x256xbf16, #tpu.memory_space<vmem>>, %arg5: memref<64x256xbf16, #tpu.memory_space<vmem>>, %arg6: memref<368x256xbf16, #tpu.memory_space<vmem>>, %arg7: memref<512x256xf32, #tpu.memory_space<vmem>>) attributes {dimension_semantics = [#tpu.dimension_semantics<arbitrary>], iteration_bounds = array<i64: 260>, scalar_prefetch = 0 : i64, scratch_operands = 0 : i64, tpu.core_type = #tpu.core_type<tc>, window_params = [{transform_indices = @transform_0, window_bounds = array<i64: 1, 1, 512>}, {transform_indices = @transform_1, window_bounds = array<i64: 1, 1, 512>}, {transform_indices = @transform_2, window_bounds = array<i64: 1, 1, 512>}, {pipeline_mode = #tpu.pipeline_mode<synchronous>, transform_indices = @transform_3, window_bounds = array<i64: 1000, 256>}, {pipeline_mode = #tpu.pipeline_mode<synchronous>, transform_indices = @transform_4, window_bounds = array<i64: 64, 256>}, {pipeline_mode = #tpu.pipeline_mode<synchronous>, transform_indices = @transform_5, window_bounds = array<i64: 368, 256>}, {transform_indices = @transform_6, window_bounds = array<i64: 512, 256>}]} {
    %get3A = arith.constant 0 : index
    %get3A_0 = arith.constant 0 : index
    %get3A_1 = arith.constant 0 : index
    %get3A_2 = vector.load %arg2[%get3A, %get3A_0, %get3A_1] : memref<1x1x512xi32, #tpu.memory_space<vmem>>, vector<1x1x512xi32>
    %get3A_3 = vector.shape_cast %get3A_2 : vector<1x1x512xi32> to vector<512xi32>
    %jit3A = arith.constant 0 : i32
    %jit3A_4 = arith.constant 999 : i32
    %max3A = vector.broadcast %jit3A : i32 to vector<512xi32>
    %max3A_5 = arith.maxsi %max3A, %get3A_3 : vector<512xi32>
    %min3A = vector.broadcast %jit3A_4 : i32 to vector<512xi32>
    %min3A_6 = arith.minsi %min3A, %max3A_5 : vector<512xi32>
    %get3A_7 = arith.constant 0 : index
    %get3A_8 = arith.constant 0 : index
    %get3A_9 = arith.constant 0 : index
    %get3A_10 = vector.load %arg3[%get3A_7, %get3A_8, %get3A_9] : memref<1x1x512xi32, #tpu.memory_space<vmem>>, vector<1x1x512xi32>
    %get3A_11 = vector.shape_cast %get3A_10 : vector<1x1x512xi32> to vector<512xi32>
    %jit3A_12 = arith.constant 0 : i32
    %jit3A_13 = arith.constant 59 : i32
    %max3A_14 = vector.broadcast %jit3A_12 : i32 to vector<512xi32>
    %max3A_15 = arith.maxsi %max3A_14, %get3A_11 : vector<512xi32>
    %min3A_16 = vector.broadcast %jit3A_13 : i32 to vector<512xi32>
    %min3A_17 = arith.minsi %min3A_16, %max3A_15 : vector<512xi32>
    %get3A_18 = arith.constant 0 : index
    %get3A_19 = arith.constant 0 : index
    %get3A_20 = arith.constant 0 : index
    %get3A_21 = vector.load %arg1[%get3A_18, %get3A_19, %get3A_20] : memref<1x1x512xi32, #tpu.memory_space<vmem>>, vector<1x1x512xi32>
    %get3A_22 = vector.shape_cast %get3A_21 : vector<1x1x512xi32> to vector<512xi32>
    %jit3A_23 = arith.constant 0 : i32
    %jit3A_24 = arith.constant 365 : i32
    %max3A_25 = vector.broadcast %jit3A_23 : i32 to vector<512xi32>
    %max3A_26 = arith.maxsi %max3A_25, %get3A_22 : vector<512xi32>
    %min3A_27 = vector.broadcast %jit3A_24 : i32 to vector<512xi32>
    %min3A_28 = arith.minsi %min3A_27, %max3A_26 : vector<512xi32>
    %broadcast_in_dim3A = vector.shape_cast %min3A_6 : vector<512xi32> to vector<512x1xi32>
    %iota3A = tpu.iota {dimensions = array<i32: 1>} : vector<512x1000xi32>
    %eq3A = vector.broadcast %broadcast_in_dim3A : vector<512x1xi32> to vector<512x1000xi32>
    %eq3A_29 = arith.cmpi eq, %eq3A, %iota3A : vector<512x1000xi32>
    %convert_element_type3A = arith.extui %eq3A_29 : vector<512x1000xi1> to vector<512x1000xi32>
    %convert_element_type3A_30 = arith.sitofp %convert_element_type3A : vector<512x1000xi32> to vector<512x1000xf32>
    %convert_element_type3A_31 = arith.truncf %convert_element_type3A_30 : vector<512x1000xf32> to vector<512x1000xbf16>
    %broadcast_in_dim3A_32 = vector.shape_cast %min3A_17 : vector<512xi32> to vector<512x1xi32>
    %iota3A_33 = tpu.iota {dimensions = array<i32: 1>} : vector<512x64xi32>
    %eq3A_34 = vector.broadcast %broadcast_in_dim3A_32 : vector<512x1xi32> to vector<512x64xi32>
    %eq3A_35 = arith.cmpi eq, %eq3A_34, %iota3A_33 : vector<512x64xi32>
    %convert_element_type3A_36 = arith.extui %eq3A_35 : vector<512x64xi1> to vector<512x64xi32>
    %convert_element_type3A_37 = arith.sitofp %convert_element_type3A_36 : vector<512x64xi32> to vector<512x64xf32>
    %convert_element_type3A_38 = arith.truncf %convert_element_type3A_37 : vector<512x64xf32> to vector<512x64xbf16>
    %broadcast_in_dim3A_39 = vector.shape_cast %min3A_28 : vector<512xi32> to vector<512x1xi32>
    %iota3A_40 = tpu.iota {dimensions = array<i32: 1>} : vector<512x368xi32>
    %eq3A_41 = vector.broadcast %broadcast_in_dim3A_39 : vector<512x1xi32> to vector<512x368xi32>
    %eq3A_42 = arith.cmpi eq, %eq3A_41, %iota3A_40 : vector<512x368xi32>
    %convert_element_type3A_43 = arith.extui %eq3A_42 : vector<512x368xi1> to vector<512x368xi32>
    %convert_element_type3A_44 = arith.sitofp %convert_element_type3A_43 : vector<512x368xi32> to vector<512x368xf32>
    %convert_element_type3A_45 = arith.truncf %convert_element_type3A_44 : vector<512x368xf32> to vector<512x368xbf16>
    %get3A_46 = arith.constant 0 : index
    %get3A_47 = arith.constant 0 : index
    %get3A_48 = vector.load %arg4[%get3A_46, %get3A_47] : memref<1000x256xbf16, #tpu.memory_space<vmem>>, vector<1000x256xbf16>
    %dot_general3A = arith.constant dense<0.000000e+00> : vector<512x256xf32>
    %dot_general3A_49 = tpu.matmul %convert_element_type3A_31, %get3A_48, %dot_general3A {dimension_numbers = #tpu.dot_dimension_numbers<[1], [0], [0], [1], [0, 0, 1, 1], [], []>, transpose_lhs_hint = false} : vector<512x1000xbf16>, vector<1000x256xbf16>, vector<512x256xf32> -> vector<512x256xf32>
    %get3A_50 = arith.constant 0 : index
    %get3A_51 = arith.constant 0 : index
    %get3A_52 = vector.load %arg5[%get3A_50, %get3A_51] : memref<64x256xbf16, #tpu.memory_space<vmem>>, vector<64x256xbf16>
    %dot_general3A_53 = arith.constant dense<0.000000e+00> : vector<512x256xf32>
    %dot_general3A_54 = tpu.matmul %convert_element_type3A_38, %get3A_52, %dot_general3A_53 {dimension_numbers = #tpu.dot_dimension_numbers<[1], [0], [0], [1], [0, 0, 1, 1], [], []>, transpose_lhs_hint = false} : vector<512x64xbf16>, vector<64x256xbf16>, vector<512x256xf32> -> vector<512x256xf32>
    %add3A = arith.addf %dot_general3A_49, %dot_general3A_54 : vector<512x256xf32>
    %get3A_55 = arith.constant 0 : index
    %get3A_56 = arith.constant 0 : index
    %get3A_57 = vector.load %arg6[%get3A_55, %get3A_56] : memref<368x256xbf16, #tpu.memory_space<vmem>>, vector<368x256xbf16>
    %dot_general3A_58 = arith.constant dense<0.000000e+00> : vector<512x256xf32>
    %dot_general3A_59 = tpu.matmul %convert_element_type3A_45, %get3A_57, %dot_general3A_58 {dimension_numbers = #tpu.dot_dimension_numbers<[1], [0], [0], [1], [0, 0, 1, 1], [], []>, transpose_lhs_hint = false} : vector<512x368xbf16>, vector<368x256xbf16>, vector<512x256xf32> -> vector<512x256xf32>
    %add3A_60 = arith.addf %add3A, %dot_general3A_59 : vector<512x256xf32>
    %swap3A = arith.constant 0 : index
    %swap3A_61 = arith.constant 0 : index
    %swap3A_62 = vector.load %arg7[%swap3A, %swap3A_61] : memref<512x256xf32, #tpu.memory_space<vmem>>, vector<512x256xf32>
    tpu.vector_store %arg7[%swap3A, %swap3A_61], %add3A_60 {strides = array<i32>} : memref<512x256xf32, #tpu.memory_space<vmem>>, vector<512x256xf32>,
    return
  }
  func.func @transform_0(%arg0: i32) -> (i32, i32, i32) {
    %c0_i32 = arith.constant 0 : i32
    %c0_i32_0 = arith.constant 0 : i32
    %c0_i32_1 = arith.constant 0 : i32
    return %arg0, %c0_i32, %c0_i32_0 : i32, i32, i32
  }
  func.func @transform_1(%arg0: i32) -> (i32, i32, i32) {
    %c0_i32 = arith.constant 0 : i32
    %c0_i32_0 = arith.constant 0 : i32
    %c0_i32_1 = arith.constant 0 : i32
    return %arg0, %c0_i32, %c0_i32_0 : i32, i32, i32
  }
  func.func @transform_2(%arg0: i32) -> (i32, i32, i32) {
    %c0_i32 = arith.constant 0 : i32
    %c0_i32_0 = arith.constant 0 : i32
    %c0_i32_1 = arith.constant 0 : i32
    return %arg0, %c0_i32, %c0_i32_0 : i32, i32, i32
  }
  func.func @transform_3(%arg0: i32) -> (i32, i32) {
    %c0_i32 = arith.constant 0 : i32
    %c0_i32_0 = arith.constant 0 : i32
    %c0_i32_1 = arith.constant 0 : i32
    return %c0_i32, %c0_i32_0 : i32, i32
  }
  func.func @transform_4(%arg0: i32) -> (i32, i32) {
    %c0_i32 = arith.constant 0 : i32
    %c0_i32_0 = arith.constant 0 : i32
    %c0_i32_1 = arith.constant 0 : i32
    return %c0_i32, %c0_i32_0 : i32, i32
  }
  func.func @transform_5(%arg0: i32) -> (i32, i32) {
    %c0_i32 = arith.constant 0 : i32
    %c0_i32_0 = arith.constant 0 : i32
    %c0_i32_1 = arith.constant 0 : i32
    return %c0_i32, %c0_i32_0 : i32, i32
  }
  func.func @transform_6(%arg0: i32) -> (i32, i32) {
    %add3A = arith.constant 140 : i32
    %add3A_0 = arith.addi %arg0, %add3A : i32
    %c0_i32 = arith.constant 0 : i32
    %c0_i32_1 = arith.constant 0 : i32
    return %add3A_0, %c0_i32 : i32, i32
  }
}

</mosaic_0001>

<sc_bundles>
// kernel: kernel.5.cloned.1.call-start
scs
__scs_entry_jumppad:
0x0: {  	(pc) =	sbr.rel $0x88, $3  }
0x1: {  	(tag) =	ssettag $0x0;
	lr =	simm.s32 $0x1  }
0x2: {  	[smem:$0x3F99] =	sst lr;
	_ =	strace $0xD0000000  }
0x3: {  	_ = 	snop  }
0x4: {  	_ = 	snop  }
0x5: {  	_ = 	snop  }
0x6: {  	_ = 	snop  }
0x7: {  	_ = 	snop  }
__scs_overlays_trampoline_lowered:
0x8: {  	[smem:$0x3FA8] =	sst s0  }
0x9: {  	[smem:$0x3FA9] =	sst s1  }
0xa: {  	[smem:$0x3FAA] =	sst s2  }
0xb: {  	[smem:$0x3FAB] =	sst s3  }
0xc: {  	[smem:$0x3FAC] =	sst s4  }
0xd: {  	[smem:$0x3FAD] =	sst s5  }
0xe: {  	[smem:$0x3FAE] =	sst s6  }
0xf: {  	[smem:$0x3FAF] =	sst s7  }
0x10: {  	[smem:$0x3FB0] =	sst s8  }
0x11: {  	[smem:$0x3FB1] =	sst s9;
	s0 =	simm.s32 @!p0 $0x0  }
0x12: {  	s1 =	sld [smem:$0x3F97];
	s0 =	simm.s32 @p0 $0x1  }
0x13: {  	[smem:$0x3FB2] =	sst s0;
	s0 =	simm.s32 @!p1 $0x0  }
0x14: {  	s2 =	sld [smem:$0x3F96];
	s0 =	simm.s32 @p1 $0x1  }
0x15: {  	[smem:$0x3FB3] =	sst s0;
	s0 =	simm.s32 @!p2 $0x0  }
0x16: {  	s3 =	sld [smem:$0x3FDB];
	s0 =	simm.s32 @p2 $0x1  }
0x17: {  	s4 =	simm.s32 $0x1BF5;
	[smem:$0x3FB5] =	sst s0  }
0x18: {  	s0 =	sld [smem:$0x3F98];
	_ =	swait.ge [sflag:s4], $0x0  }
0x19: {  	s7 =	sld [smem:$0x3F99]  }
0x1a: {  	s8 =	sadd.s32 $0xFFFFE003, lr  }
0x1b: {  	s9 =	sadd.s32 $0xFFFFFEF7, lr;
	s5 =	simm.s32 $0xFFFFFFFF;
	p2 =	slt.u32 s8, $0xFFFFF086  }
0x1c: {  	p1 =	slt.u32 s9, $0xF7A;
	s5 =	simm.s32 @!p2 $0x0  }
0x1d: {  	s5 =	simm.s32 @p1 $0x1;
	p0 =	seq.s32 s7, s2  }
0x1e: {  	s7 =	smul.u32 @!p0 $0xF7A, s2;
	p2 =	seq.s32 @!p0 s5, $0x0  }
0x1f: {  	s9 =	smul.u32 $0xF7A, s1;
	s8 =	simm.s32 @!p0 $0x1BF5;
	p2 =	por !p2, p0  }
0x20: {  	[sflag:s8] =	ssyncset.s32 @!p0 $0xFFFFF086;
	s6 =	sadd.s32 @!p0 s3, s7;
	s7 =	simm.s32 @!p0 $0x108  }
0x21: {  	s3 =	sadd.s32 s3, s9;
	s6 =	sadd.s32 @!p0 $0x88, s6;
	s7 =	simm.s32 @p2 $0x1082  }
0x22: {  	[simem:s7], [sflag:s8] =	dma.local @!p0 [hbm:s6], $0xF7A  }
0x23: {  	s9 =	sor.u32 $0xD0000000, s2;
	s6 =	simm.s32 $0x108;
	_ =	swait.ge @!p0 [sflag:s8], $0x0  }
0x24: {  	s3 =	sadd.s32 $0x88, s3;
	s6 =	simm.s32 @!p1 $0x1082;
	[sflag:s4] =	ssyncset.s32 $0xFFFFF086  }
0x25: {  	[simem:s6], [sflag:s4] =	dma.local [hbm:s3], $0xF7A  }
0x26: {  	[smem:$0x3F99] =	sst s1;
	(tag) =	ssettag s2;
	_ =	strace s9  }
0x27: {  	s1 =	sld [smem:$0x3FA9]  }
0x28: {  	s2 =	sld [smem:$0x3FAA]  }
0x29: {  	s4 =	sld [smem:$0x3FAC]  }
0x2a: {  	p0 =	seq.s32 s5, $0x0;
	s5 =	sld [smem:$0x3FAD]  }
0x2b: {  	s6 =	sld [smem:$0x3FAE]  }
0x2c: {  	s7 =	sld [smem:$0x3FAF]  }
0x2d: {  	s3 =	simm.s32 $0x108;
	s8 =	sld [smem:$0x3FB0]  }
0x2e: {  	s3 =	simm.s32 @!p0 $0x1082;
	s9 =	sld [smem:$0x3FB1]  }
0x2f: {  	lr =	sadd.s32 s0, s3;
	s0 =	sld [smem:$0x3FA8]  }
0x30: {  	s3 =	sld [smem:$0x3FAB]  }
0x31: {  	[smem:$0x3FB4] =	sst s10  }
0x32: {  	s10 =	sld [smem:$0x3FB2];
	_ =	sdelay $0x3  }
0x33: {  	p0 =	seq.s32 s10, $0x1;
	s10 =	sld [smem:$0x3FB4];
	_ =	sdelay $0x3  }
0x34: {  	[smem:$0x3FB4] =	sst s10  }
0x35: {  	s10 =	sld [smem:$0x3FB3];
	_ =	sdelay $0x3  }
0x36: {  	p1 =	seq.s32 s10, $0x1;
	s10 =	sld [smem:$0x3FB4];
	_ =	sdelay $0x3  }
0x37: {  	[smem:$0x3FB4] =	sst s10  }
0x38: {  	s10 =	sld [smem:$0x3FB5]  }
0x39: {  	_ = 	snop;
	(pc) =	sbr.ind lr, $3  }
0x3a: {  	_ = 	snop  }
0x3b: {  	_ = 	snop  }
0x3c: {  	p2 =	seq.s32 s10, $0x1;
	s10 =	sld [smem:$0x3FB4]  }
0x3d: {  	_ =	shalt  }
0x3e: {  	_ =	shalt  }
0x3f: {  	_ =	shalt  }
0x40: {  	_ =	shalt  }
0x41: {  	_ =	shalt  }
0x42: {  	_ =	shalt  }
0x43: {  	_ =	shalt  }
0x44: {  	_ =	shalt  }
0x45: {  	_ =	shalt  }
0x46: {  	_ =	shalt  }
0x47: {  	_ =	shalt  }
0x48: {  	_ =	shalt  }
0x49: {  	_ =	shalt  }
0x4a: {  	_ =	shalt  }
0x4b: {  	_ =	shalt  }
0x4c: {  	_ =	shalt  }
0x4d: {  	_ =	shalt  }
0x4e: {  	_ =	shalt  }
0x4f: {  	_ =	shalt  }
0x50: {  	_ =	shalt  }
0x51: {  	_ =	shalt  }
0x52: {  	_ =	shalt  }
0x53: {  	_ =	shalt  }
0x54: {  	_ =	shalt  }
0x55: {  	_ =	shalt  }
0x56: {  	_ =	shalt  }
0x57: {  	_ =	shalt  }
0x58: {  	_ =	shalt  }
0x59: {  	_ =	shalt  }
0x5a: {  	_ =	shalt  }
0x5b: {  	_ =	shalt  }
0x5c: {  	_ =	shalt  }
0x5d: {  	_ =	shalt  }
0x5e: {  	_ =	shalt  }
0x5f: {  	_ =	shalt  }
0x60: {  	_ =	shalt  }
0x61: {  	_ =	shalt  }
0x62: {  	_ =	shalt  }
0x63: {  	_ =	shalt  }
0x64: {  	_ =	shalt  }
0x65: {  	_ =	shalt  }
0x66: {  	_ =	shalt  }
0x67: {  	_ =	shalt  }
0x68: {  	_ =	shalt  }
0x69: {  	_ =	shalt  }
0x6a: {  	_ =	shalt  }
0x6b: {  	_ =	shalt  }
0x6c: {  	_ =	shalt  }
0x6d: {  	_ =	shalt  }
0x6e: {  	_ =	shalt  }
0x6f: {  	_ =	shalt  }
0x70: {  	_ =	shalt  }
0x71: {  	_ =	shalt  }
0x72: {  	_ =	shalt  }
0x73: {  	_ =	shalt  }
0x74: {  	_ =	shalt  }
0x75: {  	_ =	shalt  }
0x76: {  	_ =	shalt  }
0x77: {  	_ =	shalt  }
0x78: {  	_ =	shalt  }
0x79: {  	_ =	shalt  }
0x7a: {  	_ =	shalt  }
0x7b: {  	_ =	shalt  }
0x7c: {  	_ =	shalt  }
0x7d: {  	_ =	shalt  }
0x7e: {  	_ =	shalt  }
0x7f: {  	_ =	shalt  }
0x80: {  	_ =	shalt  }
0x81: {  	_ =	shalt  }
0x82: {  	_ =	shalt  }
0x83: {  	_ =	shalt  }
0x84: {  	_ =	shalt  }
0x85: {  	_ =	shalt  }
0x86: {  	_ =	shalt  }
0x87: {  	_ =	shalt  }
.Lfunc_end0:
.L_simem_size_0:
called_computation_lowered:
.L_overlay_start_0:
0x88: {  	s2 =	sld [smem:$0x3FD9]  }
0x89: {  	s3 =	sld [smem:$0x3FFE];
	_ =	sdelay $0x1  }
0x8a: {  	s1 =	srdreg.scid  }
0x8b: {  	s0 =	sand.u32 $0x1, s1  }
0x8c: {  	s16 =	sshll.u32 s0, $0xA;
	s2 =	sadd.s32 s3, s2  }
0x8d: {  	s2 =	sadd.s32 s2, s16  }
0x8e: {  	[smem:$0x3FC0] =	sst s2  }
0x8f: {  	_ = 	snop  }
0x90: {  	(tm) =	ssettm $0x1  }
0x91: {  	s17 =	sld [smem:$0x3FFB];
	_ =	sdelay $0x3  }
0x92: {  	_ =	strace s17  }
0x93: {  	s2 =	sld [smem:$0x3FFC];
	_ =	sdelay $0x3  }
0x94: {  	_ =	strace s2  }
0x95: {  	s2 =	sld [smem:$0x3FFD];
	_ =	sdelay $0x3  }
0x96: {  	_ =	strace s2  }
0x97: {  	_ =	strace $0x8FFFFFFF  }
0x98: {  	s18 =	sld [smem:$0x3FDB];
	_ =	sdelay $0x1  }
0x99: {  	s19 =	simm.s32 $_scs_section_size  }
0x9a: {  	s4 =	simm.s32 $_size__tile_overlayer_lowered;
	s5 =	simm.s32 $_tile_overlayer_lowered  }
0x9b: {  	s22 =	simm.s32 $0x1BFF;
	s21 =	sshll.u32 s5, $0x1;
	s2 =	sadd.s32 s19, s18  }
0x9c: {  	s6 =	simm.s32 $0x0;
	s20 =	sshll.u32 s4, $0x1;
	s4 =	sadd.s32 s21, s2  }
0x9d: {  	[timem:s6], [sflag:s22] =	dma.local [hbm:s4], s20  }
0x9e: {  	_ =	swait.ge [sflag:s22], s20  }
0x9f: {  	s3 =	ssub.s32 $0x0, s20;
	[sflag:s22] =	ssyncset.done $0x0  }
0xa0: {  	[sflag:s22] =	ssyncadd.s32 s3;
	_ =	sdelay $0x1  }
0xa1: {  	s23 =	simm.s32 $0x1B8B  }
0xa2: {  	_ =	swait.ge [sflag:s23], $0x1  }
0xa3: {  	[sflag:s23] =	ssyncset.done $0x0  }
0xa4: {  	s25 =	simm.s32 $0x1B8E;
	s24 =	sld [smem:$0x3FFE];
	[sflag:s23] =	ssyncadd.s32 $0xFFFFFFFF  }
0xa5: {  	s26 =	simm.s32 $execute0_lowered;
	[smem:$0x3FD2] =	sst s25  }
0xa6: {  	s4 =	sshll.u32 s26, $0x1;
	_ =	strace $0x80000046;
	[dreg:$0x1] =	wrdreg $0xFFFFFFFF  }
0xa7: {  	s28 =	simm.s32 $_size_execute0_lowered;
	s2 =	sadd.s32 s2, s4;
	[dreg:$0x0] =	wrdreg $0x0  }
0xa8: {  	s4 =	sshll.u32 s28, $0x1;
	[dreg:$0x2] =	wrdreg s2  }
0xa9: {  	[dreg:$0x3] =	wrdreg s4  }
0xaa: {  	[dreg:$0x4] =	wrdreg $0xC0  }
0xab: {  	_ =	task [dreg:s6], $0x5FFFF  }
0xac: {  	[dreg:$0x1] =	wrdreg $0xFFFFFFFF  }
0xad: {  	[dreg:$0x0] =	wrdreg $0x60  }
0xae: {  	[dreg:$0x2] =	wrdreg s24  }
0xaf: {  	[dreg:$0x3] =	wrdreg $0x9  }
0xb0: {  	_ =	task.clear_ibuf [dreg:s6], $0x4FFFF;
	_ =	strace $0x90000046  }
0xb1: {  	s29 =	simm.s32 $0x9;
	_ =	strace $0x80000048  }
0xb2: {  	_ =	swait.ge [sflag:s29], $0x1  }
0xb3: {  	[sflag:s29] =	ssyncadd.s32 $0xFFFFFFFF  }
0xb4: {  	_ =	strace $0x90000048  }
0xb5: {  	_ =	sfence  }
0xb6: {  	s30 =	sld [smem:$0x0];
	_ =	sdelay $0x2  }
0xb7: {  	s31 =	sshll.u32 s1, $0xD;
	s1 =	sshrl.u32 s1, $0x2  }
0xb8: {  	s3 =	sand.u32 $0x4000, s31;
	s1 =	sadd.s32 s1, s30  }
0xb9: {  	s0 =	sor.u32 s3, s0;
	s1 =	sshll.u32 s1, $0x11  }
0xba: {  	s0 =	sor.u32 s1, s0  }
0xbb: {  	s0 =	sadd.s32 $0x8F2B, s0  }
0xbc: {  	[sflag:s0] =	ssyncadd.remote.s32 $0x1  }
0xbd: {  	_ =	sfence.sel $0xFFFF  }
0xbe: {  	[dreg:$0x0] =	wrdreg $0xFFFFFFFF;
	(pc) =	sbr.abs _section_cstart, $3  }
0xbf: {  	[dreg:$0x1] =	wrdreg $0xFFFFFFFF  }
0xc0: {  	_ =	task.clear_ibuf [dreg:s6], $0x2FFFF;
	_ =	strace $0x9FFFFFFF  }
0xc1: {  	(tm) =	ssettm $0x7FFFFFFF  }
tec
execute0_lowered:
.L_overlay_start_1:
0x0: {  	(tag) =	ssettag $0x1  }
0x1: {  	s0 =	srdreg.scid  }
0x2: {  	s2 =	stileid.u32;
	s1 =	rddreg [dreg:$0x0]  }
0x3: {  	s13 =	simm.s32 $0x50;
	s14 =	simm.s32 $0x1B00;
	s15 =	simm.s32 $0x1E00  }
0x4: {  	s16 =	simm.s32 $0xA0;
	s17 =	simm.s32 $0x1C00;
	s18 =	simm.s32 $0x6E00  }
0x5: {  	s19 =	simm.s32 $0x1B80;
	s20 =	simm.s32 $0x4600;
	s21 =	simm.s32 $0x1D00  }
0x6: {  	s22 =	simm.s32 $0xBE00;
	s0 =	sand.u32 $0x1, s0;
	s3 =	sshll.u32 s2, $0x1  }
0x7: {  	s23 =	simm.s32 $0x1;
	s24 =	simm.s32 $0x3;
	s3 =	sor.u32 s0, s3  }
0x8: {  	s28 =	simm.s32 $0x4;
	s0 =	ssub.s32 $0x2, s0;
	s3 =	smul.u32 $0x8C0, s3  }
0x9: {  	s29 =	simm.s32 $0x15E00;
	s2 =	simm.s32 $0x0;
	s25 =	sshrl.u32 s0, $0x1  }
0xa: {  	s4 =	sadd.s32 $0xC00, s1;
	s0 =	ssub.s32 s0, s25;
	s5 =	sshrl.u32 s3, $0x3  }
0xb: {  	[smem:$0x7FF] =	sst s2;
	s0 =	smax.u32 s0, $0x1;
	s6 =	sadd.s32 s5, s1  }
0xc: {  	_ =	strace $0x80000047;
	[dreg:$0x5] =	wrdreg s0;
	s26 =	sadd.s32 $0x6600, s6  }
0xd: {  	s25 =	simm.s32 $0x10E00;
	s30 =	sadd.s32 $0xCA00, s6;
	[dreg:$0x2] =	wrdreg s26  }
0xe: {  	s5 =	sadd.s32 $0x19200, s1;
	s31 =	sadd.s32 $0x12E00, s6;
	[dreg:$0x3] =	wrdreg s30  }
0xf: {  	s6 =	simm.s32 $0x0;
	[dreg:$0x4] =	wrdreg s31;
	s26 =	simm.s32 $0x2  }
.LBB2_1:
0x10: {  	[dreg:$0x6] =	wrdreg s6  }
0x11: {  	s0 =	rddreg [dreg:$0x2];
	s1 =	simm.s32 $0x7  }
0x12: {  	[tilespmem:s2], [sflag:$0x7] =	stream.linear.gather [hbm4b:s0+s2], $0x8C0, $0x38;
	[tilespmem:$0x1AE00] =	vst v63  }
0x13: {  	_ =	swait.ge [sflag:s1], $0x8C0  }
0x14: {  	[sflag:s1] =	ssyncset.done $0x0  }
0x15: {  	s12 =	simm.s32 $0x900;
	s11 =	rddreg [dreg:$0x3];
	[sflag:s1] =	ssyncadd.s32 $0xFFFFF740  }
0x16: {  	[tilespmem:s12], [sflag:$0x7] =	stream.linear.gather [hbm4b:s11+s2], $0x8C0, $0x38;
	[tilespmem:$0x1AE00] =	vst v63  }
0x17: {  	_ =	swait.ge [sflag:s1], $0x8C0  }
0x18: {  	[sflag:s1] =	ssyncset.done $0x0  }
0x19: {  	s31 =	simm.s32 $0x1200;
	s30 =	rddreg [dreg:$0x4];
	[sflag:s1] =	ssyncadd.s32 $0xFFFFF740  }
0x1a: {  	[tilespmem:s31], [sflag:$0x7] =	stream.linear.gather [hbm4b:s30+s2], $0x8C0, $0x38;
	[tilespmem:$0x1AE00] =	vst v63  }
0x1b: {  	_ =	swait.ge [sflag:s1], $0x8C0  }
0x1c: {  	[sflag:s1] =	ssyncset.done $0x0  }
0x1d: {  	[sflag:s1] =	ssyncadd.s32 $0xFFFFF740  }
0x1e: {  	v0 =	vld [tilespmem:$0x900]  }
0x1f: {  	v1 =	vld [tilespmem:$0x1200]  }
0x20: {  	v2 =	vld [tilespmem:$0x0]  }
0x21: {  	v3 =	vld [tilespmem:$0x910]  }
0x22: {  	v4 =	vld [tilespmem:$0x1210]  }
0x23: {  	v5 =	vld [tilespmem:$0x10]  }
0x24: {  	v6 =	vld [tilespmem:$0x920]  }
0x25: {  	v7 =	vld [tilespmem:$0x1220]  }
0x26: {  	v8 =	vld [tilespmem:$0x20]  }
0x27: {  	v9 =	vld [tilespmem:$0x930]  }
0x28: {  	v41 =	vld [tilespmem:$0x1230]  }
0x29: {  	v46 =	vld [tilespmem:$0x30]  }
0x2a: {  	v49 =	vld [tilespmem:$0x940];
	vm0 =	vgt.s32 v0, $0x0  }
0x2b: {  	v52 =	vld [tilespmem:$0x1240];
	vm1 =	vgt.s32 v1, $0x0;
	vm15 =	vgt.s32 v2, $0x0;
	vm4 =	vgt.s32 v3, $0x0  }
0x2c: {  	vm5 =	vgt.s32 v4, $0x0;
	vm6 =	vgt.s32 v5, $0x0;
	vm7 =	vgt.s32 v6, $0x0  }
0x2d: {  	vm8 =	vgt.s32 v7, $0x0;
	vm9 =	vgt.s32 v8, $0x0;
	vm10 =	vgt.s32 v9, $0x0  }
0x2e: {  	vm11 =	vgt.s32 v41, $0x0;
	vm12 =	vgt.s32 v46, $0x0;
	v0 =	vnsel vm0, $0x0, v0  }
0x2f: {  	vm13 =	vgt.s32 v49, $0x0;
	v3 =	vnsel vm4, $0x0, v3;
	v0 =	vmin.u32 v0, $0x3E7  }
0x30: {  	vm14 =	vgt.s32 v52, $0x0;
	v45 =	vnsel vm7, $0x0, v6;
	v38 =	vmin.u32 v3, $0x3E7;
	[tilespmem:$0x1B00] =	vst v0  }
0x31: {  	v1 =	vnsel vm1, $0x0, v1;
	v54 =	vnsel vm10, $0x0, v9;
	v47 =	vmin.u32 v45, $0x3E7;
	[tilespmem:$0x1B10] =	vst v38  }
0x32: {  	v2 =	vnsel vm15, $0x0, v2;
	v1 =	vmin.u32 v1, $0x3B;
	v57 =	vmin.u32 v54, $0x3E7;
	[tilespmem:$0x1B20] =	vst v47  }
0x33: {  	v4 =	vnsel vm5, $0x0, v4;
	v2 =	vmin.u32 v2, $0x16D;
	v1 =	vadd.s32 $0x3E8, v1;
	[tilespmem:$0x1B30] =	vst v57  }
0x34: {  	v40 =	vnsel vm6, $0x0, v5;
	v39 =	vmin.u32 v4, $0x3B;
	v2 =	vadd.s32 $0x428, v2;
	[tilespmem:$0x1C00] =	vst v1  }
0x35: {  	v55 =	vld [tilespmem:$0x40];
	v58 =	vnsel vm12, $0x0, v46;
	v43 =	vmin.u32 v40, $0x16D;
	v42 =	vadd.s32 $0x3E8, v39;
	[tilespmem:$0x1C50] =	vst v2  }
0x36: {  	v48 =	vnsel vm8, $0x0, v7;
	v59 =	vmin.u32 v58, $0x16D;
	v44 =	vadd.s32 $0x428, v43;
	[tilespmem:$0x1C10] =	vst v42  }
0x37: {  	v51 =	vnsel vm9, $0x0, v8;
	v50 =	vmin.u32 v48, $0x3B;
	v61 =	vadd.s32 $0x428, v59;
	[tilespmem:$0x1C60] =	vst v44  }
0x38: {  	v56 =	vnsel vm11, $0x0, v41;
	v53 =	vmin.u32 v51, $0x16D;
	v1 =	vadd.s32 $0x3E8, v50;
	[tilespmem:$0x1C80] =	vst v61  }
0x39: {  	v60 =	vnsel vm13, $0x0, v49;
	v0 =	vmin.u32 v56, $0x3B;
	v2 =	vadd.s32 $0x428, v53;
	[tilespmem:$0x1C20] =	vst v1  }
0x3a: {  	v62 =	vnsel vm14, $0x0, v52;
	vm15 =	vgt.s32 v55, $0x0;
	v0 =	vadd.s32 $0x3E8, v0;
	[tilespmem:$0x1C70] =	vst v2  }
0x3b: {  	v63 =	vnsel vm15, $0x0, v55;
	[tilespmem:$0x1C30] =	vst v0;
	v2 =	vmin.u32 v60, $0x3E7;
	v1 =	vmin.u32 v62, $0x3B  }
0x3c: {  	v0 =	vmin.u32 v63, $0x16D;
	[tilespmem:$0x1B40] =	vst v2;
	v1 =	vadd.s32 $0x3E8, v1  }
0x3d: {  	v0 =	vadd.s32 $0x428, v0;
	[tilespmem:$0x1C40] =	vst v1  }
0x3e: {  	[tilespmem:$0x1C90] =	vst v0  }
0x3f: {  	[tilespmem:s15], [sflag:$0x1] =	stream.indirect.gather [hbm4b:s4+s13], $0x80, s14, s13, $0xb8;
	[tilespmem:$0x1AE00] =	vst v63  }
0x40: {  	s0 =	simm.s32 $0x0  }
0x41: {  	[tilespmem:s18], [sflag:$0x3] =	stream.indirect.gather [hbm4b:s4+s16], $0x80, s17, s16, $0xb8;
	[tilespmem:$0x1AE00] =	vst v63  }
.LBB2_2:
0x42: {  	s12 =	smul.u32 $0xA0, s0;
	_ =	sdelay $0x1  }
0x43: {  	v0 =	vld [tilespmem:s12+$0x950];
	_ =	sdelay $0x4  }
0x44: {  	vm0 =	vgt.s32 v0, $0x0  }
0x45: {  	v0 =	vnsel vm0, $0x0, v0  }
0x46: {  	v0 =	vmin.u32 v0, $0x3E7  }
0x47: {  	[tilespmem:$0x1B80] =	vst v0  }
0x48: {  	v0 =	vld [tilespmem:s12+$0x1250];
	_ =	sdelay $0x4  }
0x49: {  	vm14 =	vgt.s32 v0, $0x0  }
0x4a: {  	v0 =	vnsel vm14, $0x0, v0  }
0x4b: {  	v0 =	vmin.u32 v0, $0x3B  }
0x4c: {  	v0 =	vadd.s32 $0x3E8, v0  }
0x4d: {  	[tilespmem:$0x1D00] =	vst v0  }
0x4e: {  	v0 =	vld [tilespmem:s12+$0x50];
	_ =	sdelay $0x4  }
0x4f: {  	vm15 =	vgt.s32 v0, $0x0  }
0x50: {  	v0 =	vnsel vm15, $0x0, v0  }
0x51: {  	v0 =	vmin.u32 v0, $0x16D  }
0x52: {  	v0 =	vadd.s32 $0x428, v0  }
0x53: {  	[tilespmem:$0x1D50] =	vst v0  }
0x54: {  	v0 =	vld [tilespmem:s12+$0x960];
	_ =	sdelay $0x4  }
0x55: {  	vm4 =	vgt.s32 v0, $0x0  }
0x56: {  	v0 =	vnsel vm4, $0x0, v0  }
0x57: {  	v0 =	vmin.u32 v0, $0x3E7  }
0x58: {  	[tilespmem:$0x1B90] =	vst v0  }
0x59: {  	v0 =	vld [tilespmem:s12+$0x1260];
	_ =	sdelay $0x4  }
0x5a: {  	vm5 =	vgt.s32 v0, $0x0  }
0x5b: {  	v0 =	vnsel vm5, $0x0, v0  }
0x5c: {  	v0 =	vmin.u32 v0, $0x3B  }
0x5d: {  	v0 =	vadd.s32 $0x3E8, v0  }
0x5e: {  	[tilespmem:$0x1D10] =	vst v0  }
0x5f: {  	v0 =	vld [tilespmem:s12+$0x60];
	_ =	sdelay $0x4  }
0x60: {  	vm6 =	vgt.s32 v0, $0x0  }
0x61: {  	v0 =	vnsel vm6, $0x0, v0  }
0x62: {  	v0 =	vmin.u32 v0, $0x16D  }
0x63: {  	v0 =	vadd.s32 $0x428, v0  }
0x64: {  	[tilespmem:$0x1D60] =	vst v0  }
0x65: {  	v0 =	vld [tilespmem:s12+$0x970];
	_ =	sdelay $0x4  }
0x66: {  	vm7 =	vgt.s32 v0, $0x0  }
0x67: {  	v0 =	vnsel vm7, $0x0, v0  }
0x68: {  	v0 =	vmin.u32 v0, $0x3E7  }
0x69: {  	[tilespmem:$0x1BA0] =	vst v0  }
0x6a: {  	v0 =	vld [tilespmem:s12+$0x1270];
	_ =	sdelay $0x4  }
0x6b: {  	vm8 =	vgt.s32 v0, $0x0  }
0x6c: {  	v0 =	vnsel vm8, $0x0, v0  }
0x6d: {  	v0 =	vmin.u32 v0, $0x3B  }
0x6e: {  	v0 =	vadd.s32 $0x3E8, v0  }
0x6f: {  	[tilespmem:$0x1D20] =	vst v0  }
0x70: {  	v0 =	vld [tilespmem:s12+$0x70];
	_ =	sdelay $0x4  }
0x71: {  	vm9 =	vgt.s32 v0, $0x0  }
0x72: {  	v0 =	vnsel vm9, $0x0, v0  }
0x73: {  	v0 =	vmin.u32 v0, $0x16D  }
0x74: {  	v0 =	vadd.s32 $0x428, v0  }
0x75: {  	s6 =	sand.u32 $0xFE0, s12;
	[tilespmem:$0x1D70] =	vst v0  }
0x76: {  	v0 =	vld [tilespmem:s6+$0x980];
	_ =	sdelay $0x4  }
0x77: {  	vm10 =	vgt.s32 v0, $0x0  }
0x78: {  	v0 =	vnsel vm10, $0x0, v0  }
0x79: {  	v0 =	vmin.u32 v0, $0x3E7  }
0x7a: {  	[tilespmem:$0x1BB0] =	vst v0  }
0x7b: {  	v0 =	vld [tilespmem:s6+$0x1280];
	_ =	sdelay $0x4  }
0x7c: {  	vm11 =	vgt.s32 v0, $0x0  }
0x7d: {  	v0 =	vnsel vm11, $0x0, v0  }
0x7e: {  	v0 =	vmin.u32 v0, $0x3B  }
0x7f: {  	v0 =	vadd.s32 $0x3E8, v0  }
0x80: {  	[tilespmem:$0x1D30] =	vst v0  }
0x81: {  	v0 =	vld [tilespmem:s6+$0x80];
	_ =	sdelay $0x4  }
0x82: {  	vm12 =	vgt.s32 v0, $0x0  }
0x83: {  	v0 =	vnsel vm12, $0x0, v0  }
0x84: {  	v0 =	vmin.u32 v0, $0x16D  }
0x85: {  	v0 =	vadd.s32 $0x428, v0  }
0x86: {  	[tilespmem:$0x1D80] =	vst v0  }
0x87: {  	v0 =	vld [tilespmem:s12+$0x990];
	_ =	sdelay $0x4  }
0x88: {  	vm13 =	vgt.s32 v0, $0x0  }
0x89: {  	v0 =	vnsel vm13, $0x0, v0  }
0x8a: {  	v0 =	vmin.u32 v0, $0x3E7  }
0x8b: {  	[tilespmem:$0x1BC0] =	vst v0  }
0x8c: {  	v0 =	vld [tilespmem:s12+$0x1290];
	_ =	sdelay $0x4  }
0x8d: {  	vm14 =	vgt.s32 v0, $0x0  }
0x8e: {  	v0 =	vnsel vm14, $0x0, v0  }
0x8f: {  	v0 =	vmin.u32 v0, $0x3B  }
0x90: {  	v0 =	vadd.s32 $0x3E8, v0  }
0x91: {  	[tilespmem:$0x1D40] =	vst v0  }
0x92: {  	v0 =	vld [tilespmem:s12+$0x90];
	_ =	sdelay $0x4  }
0x93: {  	vm15 =	vgt.s32 v0, $0x0  }
0x94: {  	v0 =	vnsel vm15, $0x0, v0  }
0x95: {  	v0 =	vmin.u32 v0, $0x16D  }
0x96: {  	v0 =	vadd.s32 $0x428, v0  }
0x97: {  	[tilespmem:$0x1D90] =	vst v0  }
0x98: {  	[tilespmem:s20], [sflag:$0x2] =	stream.indirect.gather [hbm4b:s4+s13], $0x80, s19, s13, $0xb8;
	[tilespmem:$0x1AE00] =	vst v63  }
0x99: {  	_ = 	snop  }
0x9a: {  	[tilespmem:s22], [sflag:$0x4] =	stream.indirect.gather [hbm4b:s4+s16], $0x80, s21, s16, $0xb8;
	[tilespmem:$0x1AE00] =	vst v63  }
0x9b: {  	_ =	swait.ge [sflag:s23], $0x2800  }
0x9c: {  	[sflag:s23] =	ssyncset.done $0x0  }
0x9d: {  	[sflag:s23] =	ssyncadd.s32 $0xFFFFD800  }
0x9e: {  	_ =	swait.ge [sflag:s24], $0x5000  }
0x9f: {  	p0 =	seq.s32 s0, $0x0;
	[sflag:s24] =	ssyncset.done $0x0  }
0xa0: {  	s6 =	simm.s32 @!p0 $0x5;
	[sflag:s24] =	ssyncadd.s32 $0xFFFFB000  }
0xa1: {  	_ =	swait.ge @!p0 [sflag:s6], $0x5000  }
0xa2: {  	[sflag:s6] =	ssyncset.done @!p0 $0x0  }
0xa3: {  	[sflag:s6] =	ssyncadd.s32 @!p0 $0xFFFFB000;
	s6 =	simm.s32 $0x9670  }
0xa4: {  	s7 =	simm.s32 $0x1E40;
	v0 =	vld [tilespmem:s6+$0xFFFFD790]  }
0xa5: {  	v1 =	vld [tilespmem:s7+$0xFFFFFFC0];
	_ =	sdelay $0x1  }
0xa6: {  	v2 =	vld [tilespmem:s6+$0xFFFFFF90];
	_ =	sdelay $0x2  }
0xa7: {  	v3 =	vshll.u32 v0, $0x10;
	v4 =	vshll.u32 v1, $0x10  }
0xa8: {  	v0 =	vand.u32 $0xFFFF0000, v0;
	v1 =	vand.u32 $0xFFFF0000, v1;
	v3 =	vadd.f32 v3, v4  }
0xa9: {  	s8 =	simm.s32 $0x0;
	v57 =	vshll.u32 v2, $0x10;
	v0 =	vadd.f32 v0, v1  }
0xaa: {  	s9 =	sand.u32 $0x7800, s8;
	s10 =	sand.u32 $0x380, s8;
	v1 =	vand.u32 $0xFFFF0000, v2;
	v2 =	vadd.f32 v57, v3  }
0xab: {  	s10 =	sor.u32 s10, s9;
	v0 =	vadd.f32 v1, v0  }
0xac: {  	s9 =	sadd.s32 $0x10E00, s10;
	[tilespmem:s10+$0x10E00] =	vst v2  }
0xad: {  	[tilespmem:s9+$0x10] =	vst v0  }
0xae: {  	v0 =	vld [tilespmem:s7+$0xFFFFFFD0]  }
0xaf: {  	v1 =	vld [tilespmem:s6+$0xFFFFD7A0];
	_ =	sdelay $0x1  }
0xb0: {  	v2 =	vld [tilespmem:s6+$0xFFFFFFA0];
	_ =	sdelay $0x2  }
0xb1: {  	v3 =	vshll.u32 v0, $0x10;
	v58 =	vshll.u32 v1, $0x10  }
0xb2: {  	v0 =	vand.u32 $0xFFFF0000, v0;
	v1 =	vand.u32 $0xFFFF0000, v1;
	v3 =	vadd.f32 v58, v3  }
0xb3: {  	v0 =	vadd.f32 v1, v0;
	v1 =	vshll.u32 v2, $0x10  }
0xb4: {  	v2 =	vand.u32 $0xFFFF0000, v2;
	v1 =	vadd.f32 v1, v3  }
0xb5: {  	v0 =	vadd.f32 v2, v0  }
0xb6: {  	[tilespmem:s9+$0x20] =	vst v1  }
0xb7: {  	[tilespmem:s9+$0x30] =	vst v0  }
0xb8: {  	v0 =	vld [tilespmem:s7+$0xFFFFFFE0]  }
0xb9: {  	v1 =	vld [tilespmem:s6+$0xFFFFD7B0];
	_ =	sdelay $0x1  }
0xba: {  	v2 =	vld [tilespmem:s6+$0xFFFFFFB0];
	_ =	sdelay $0x2  }
0xbb: {  	v3 =	vshll.u32 v0, $0x10;
	v59 =	vshll.u32 v1, $0x10  }
0xbc: {  	v0 =	vand.u32 $0xFFFF0000, v0;
	v1 =	vand.u32 $0xFFFF0000, v1;
	v3 =	vadd.f32 v59, v3  }
0xbd: {  	v0 =	vadd.f32 v1, v0;
	v1 =	vshll.u32 v2, $0x10  }
0xbe: {  	v2 =	vand.u32 $0xFFFF0000, v2;
	v1 =	vadd.f32 v1, v3  }
0xbf: {  	v0 =	vadd.f32 v2, v0  }
0xc0: {  	[tilespmem:s9+$0x40] =	vst v1  }
0xc1: {  	[tilespmem:s9+$0x50] =	vst v0  }
0xc2: {  	v0 =	vld [tilespmem:s7+$0xFFFFFFF0]  }
0xc3: {  	v1 =	vld [tilespmem:s6+$0xFFFFD7C0];
	_ =	sdelay $0x1  }
0xc4: {  	v2 =	vld [tilespmem:s6+$0xFFFFFFC0];
	_ =	sdelay $0x2  }
0xc5: {  	v3 =	vshll.u32 v0, $0x10;
	v60 =	vshll.u32 v1, $0x10  }
0xc6: {  	v0 =	vand.u32 $0xFFFF0000, v0;
	v1 =	vand.u32 $0xFFFF0000, v1;
	v3 =	vadd.f32 v60, v3  }
0xc7: {  	v0 =	vadd.f32 v1, v0;
	v1 =	vshll.u32 v2, $0x10  }
0xc8: {  	v2 =	vand.u32 $0xFFFF0000, v2;
	v1 =	vadd.f32 v1, v3  }
0xc9: {  	v0 =	vadd.f32 v2, v0  }
0xca: {  	[tilespmem:s9+$0x60] =	vst v1  }
0xcb: {  	[tilespmem:s9+$0x70] =	vst v0  }
0xcc: {  	v0 =	vld [tilespmem:s7+$0x0]  }
0xcd: {  	v1 =	vld [tilespmem:s6+$0xFFFFD7D0];
	_ =	sdelay $0x1  }
0xce: {  	v2 =	vld [tilespmem:s6+$0xFFFFFFD0];
	_ =	sdelay $0x2  }
0xcf: {  	v3 =	vshll.u32 v0, $0x10;
	v61 =	vshll.u32 v1, $0x10  }
0xd0: {  	v0 =	vand.u32 $0xFFFF0000, v0;
	v1 =	vand.u32 $0xFFFF0000, v1;
	v3 =	vadd.f32 v61, v3  }
0xd1: {  	v0 =	vadd.f32 v1, v0;
	v1 =	vshll.u32 v2, $0x10  }
0xd2: {  	v2 =	vand.u32 $0xFFFF0000, v2;
	v1 =	vadd.f32 v1, v3  }
0xd3: {  	v0 =	vadd.f32 v2, v0  }
0xd4: {  	[tilespmem:s9+$0x400] =	vst v1  }
0xd5: {  	[tilespmem:s9+$0x410] =	vst v0  }
0xd6: {  	v0 =	vld [tilespmem:s7+$0x10]  }
0xd7: {  	v1 =	vld [tilespmem:s6+$0xFFFFD7E0];
	_ =	sdelay $0x1  }
0xd8: {  	v2 =	vld [tilespmem:s6+$0xFFFFFFE0];
	_ =	sdelay $0x2  }
0xd9: {  	v3 =	vshll.u32 v0, $0x10;
	v62 =	vshll.u32 v1, $0x10  }
0xda: {  	v0 =	vand.u32 $0xFFFF0000, v0;
	v1 =	vand.u32 $0xFFFF0000, v1;
	v3 =	vadd.f32 v62, v3  }
0xdb: {  	v0 =	vadd.f32 v1, v0;
	v1 =	vshll.u32 v2, $0x10  }
0xdc: {  	v2 =	vand.u32 $0xFFFF0000, v2;
	v1 =	vadd.f32 v1, v3  }
0xdd: {  	v0 =	vadd.f32 v2, v0  }
0xde: {  	[tilespmem:s9+$0x420] =	vst v1  }
0xdf: {  	[tilespmem:s9+$0x430] =	vst v0  }
0xe0: {  	v0 =	vld [tilespmem:s7+$0x20]  }
0xe1: {  	v1 =	vld [tilespmem:s6+$0xFFFFD7F0];
	_ =	sdelay $0x1  }
0xe2: {  	v2 =	vld [tilespmem:s6+$0xFFFFFFF0];
	_ =	sdelay $0x1  }
0xe3: {  	v3 =	vand.u32 $0xFFFF0000, v0  }
0xe4: {  	v0 =	vshll.u32 v0, $0x10;
	v63 =	vshll.u32 v1, $0x10;
	v1 =	vand.u32 $0xFFFF0000, v1  }
0xe5: {  	v0 =	vadd.f32 v63, v0;
	v3 =	vadd.f32 v1, v3  }
0xe6: {  	s31 =	simm.s32 $0x80;
	v1 =	vshll.u32 v2, $0x10;
	v2 =	vand.u32 $0xFFFF0000, v2  }
0xe7: {  	s30 =	simm.s32 $0x9670;
	s11 =	sadd.s32 $0x50, s12;
	s10 =	simm.s32 $0x1E40;
	v1 =	vadd.f32 v1, v0;
	v0 =	vadd.f32 v2, v3  }
.LBB2_3:
0xe8: {  	s8 =	sadd.s32 $0x100, s8;
	s6 =	sadd.s32 $0x80, s6;
	s7 =	sadd.s32 $0x80, s7  }
0xe9: {  	p1 =	sne.s32 s31, $0x2780;
	s1 =	smov.u32 s31;
	s31 =	sadd.s32 $0x80, s31;
	[tilespmem:s9+$0x440] =	vst v1  }
0xea: {  	[tilespmem:s9+$0x450] =	vst v0  }
0xeb: {  	v0 =	vld [tilespmem:s10+$0x30];
	s10 =	smov.u32 s7  }
0xec: {  	v1 =	vld [tilespmem:s30+$0xFFFFD800]  }
0xed: {  	v2 =	vld [tilespmem:s30+$0x0];
	s30 =	smov.u32 s6;
	_ =	sdelay $0x2  }
0xee: {  	v3 =	vand.u32 $0xFFFF0000, v0  }
0xef: {  	v0 =	vshll.u32 v0, $0x10;
	v4 =	vshll.u32 v1, $0x10;
	v1 =	vand.u32 $0xFFFF0000, v1  }
0xf0: {  	v0 =	vadd.f32 v4, v0;
	v1 =	vadd.f32 v1, v3  }
0xf1: {  	v3 =	vshll.u32 v2, $0x10;
	v2 =	vand.u32 $0xFFFF0000, v2  }
0xf2: {  	v0 =	vadd.f32 v3, v0;
	v1 =	vadd.f32 v2, v1;
	_ =	sdelay $0x1  }
0xf3: {  	[tilespmem:s9+$0x460] =	vst v0  }
0xf4: {  	[tilespmem:s9+$0x470] =	vst v1  }
0xf5: {  	v0 =	vld [tilespmem:s6+$0xFFFFD790]  }
0xf6: {  	v1 =	vld [tilespmem:s7+$0xFFFFFFC0]  }
0xf7: {  	v2 =	vld [tilespmem:s6+$0xFFFFFF90];
	_ =	sdelay $0x2  }
0xf8: {  	v3 =	vshll.u32 v0, $0x10;
	v0 =	vand.u32 $0xFFFF0000, v0  }
0xf9: {  	v4 =	vshll.u32 v1, $0x10;
	v1 =	vand.u32 $0xFFFF0000, v1  }
0xfa: {  	v5 =	vshll.u32 v2, $0x10;
	v3 =	vadd.f32 v3, v4;
	v0 =	vadd.f32 v0, v1  }
0xfb: {  	v1 =	vand.u32 $0xFFFF0000, v2  }
0xfc: {  	s1 =	sand.u32 $0x380, s1;
	s9 =	sand.u32 $0x7800, s8;
	v2 =	vadd.f32 v5, v3;
	v0 =	vadd.f32 v1, v0  }
0xfd: {  	s1 =	sor.u32 s1, s9  }
0xfe: {  	s9 =	sadd.s32 $0x10E00, s1;
	[tilespmem:s1+$0x10E00] =	vst v2  }
0xff: {  	[tilespmem:s9+$0x10] =	vst v0  }
0x100: {  	v0 =	vld [tilespmem:s7+$0xFFFFFFD0]  }
0x101: {  	v1 =	vld [tilespmem:s6+$0xFFFFD7A0];
	_ =	sdelay $0x1  }
0x102: {  	v2 =	vld [tilespmem:s6+$0xFFFFFFA0];
	_ =	sdelay $0x1  }
0x103: {  	v3 =	vand.u32 $0xFFFF0000, v0  }
0x104: {  	v0 =	vshll.u32 v0, $0x10;
	v4 =	vshll.u32 v1, $0x10;
	v1 =	vand.u32 $0xFFFF0000, v1  }
0x105: {  	v0 =	vadd.f32 v4, v0;
	v1 =	vadd.f32 v1, v3  }
0x106: {  	v3 =	vshll.u32 v2, $0x10;
	v2 =	vand.u32 $0xFFFF0000, v2  }
0x107: {  	v0 =	vadd.f32 v3, v0;
	v1 =	vadd.f32 v2, v1;
	_ =	sdelay $0x1  }
0x108: {  	[tilespmem:s9+$0x20] =	vst v0  }
0x109: {  	[tilespmem:s9+$0x30] =	vst v1  }
0x10a: {  	v0 =	vld [tilespmem:s7+$0xFFFFFFE0]  }
0x10b: {  	v1 =	vld [tilespmem:s6+$0xFFFFD7B0];
	_ =	sdelay $0x1  }
0x10c: {  	v2 =	vld [tilespmem:s6+$0xFFFFFFB0];
	_ =	sdelay $0x1  }
0x10d: {  	v3 =	vand.u32 $0xFFFF0000, v0  }
0x10e: {  	v0 =	vshll.u32 v0, $0x10;
	v4 =	vshll.u32 v1, $0x10;
	v1 =	vand.u32 $0xFFFF0000, v1  }
0x10f: {  	v0 =	vadd.f32 v4, v0;
	v1 =	vadd.f32 v1, v3  }
0x110: {  	v3 =	vshll.u32 v2, $0x10;
	v2 =	vand.u32 $0xFFFF0000, v2  }
0x111: {  	v0 =	vadd.f32 v3, v0;
	v1 =	vadd.f32 v2, v1;
	_ =	sdelay $0x1  }
0x112: {  	[tilespmem:s9+$0x40] =	vst v0  }
0x113: {  	[tilespmem:s9+$0x50] =	vst v1  }
0x114: {  	v0 =	vld [tilespmem:s7+$0xFFFFFFF0]  }
0x115: {  	v1 =	vld [tilespmem:s6+$0xFFFFD7C0]  }
0x116: {  	v2 =	vld [tilespmem:s6+$0xFFFFFFC0];
	_ =	sdelay $0x2  }
0x117: {  	v3 =	vand.u32 $0xFFFF0000, v0  }
0x118: {  	v0 =	vshll.u32 v0, $0x10;
	v4 =	vshll.u32 v1, $0x10;
	v1 =	vand.u32 $0xFFFF0000, v1  }
0x119: {  	v0 =	vadd.f32 v4, v0;
	v1 =	vadd.f32 v1, v3  }
0x11a: {  	v3 =	vshll.u32 v2, $0x10;
	v2 =	vand.u32 $0xFFFF0000, v2  }
0x11b: {  	v0 =	vadd.f32 v3, v0;
	v1 =	vadd.f32 v2, v1;
	_ =	sdelay $0x1  }
0x11c: {  	[tilespmem:s9+$0x60] =	vst v0  }
0x11d: {  	[tilespmem:s9+$0x70] =	vst v1  }
0x11e: {  	v0 =	vld [tilespmem:s7+$0x0]  }
0x11f: {  	v1 =	vld [tilespmem:s6+$0xFFFFD7D0]  }
0x120: {  	v2 =	vld [tilespmem:s6+$0xFFFFFFD0];
	_ =	sdelay $0x2  }
0x121: {  	v3 =	vand.u32 $0xFFFF0000, v0  }
0x122: {  	v0 =	vshll.u32 v0, $0x10;
	v4 =	vshll.u32 v1, $0x10;
	v1 =	vand.u32 $0xFFFF0000, v1  }
0x123: {  	v0 =	vadd.f32 v4, v0;
	v1 =	vadd.f32 v1, v3  }
0x124: {  	v3 =	vshll.u32 v2, $0x10;
	v2 =	vand.u32 $0xFFFF0000, v2  }
0x125: {  	v0 =	vadd.f32 v3, v0;
	v1 =	vadd.f32 v2, v1;
	_ =	sdelay $0x1  }
0x126: {  	[tilespmem:s9+$0x400] =	vst v0  }
0x127: {  	[tilespmem:s9+$0x410] =	vst v1  }
0x128: {  	v0 =	vld [tilespmem:s7+$0x10]  }
0x129: {  	v1 =	vld [tilespmem:s6+$0xFFFFD7E0]  }
0x12a: {  	v2 =	vld [tilespmem:s6+$0xFFFFFFE0];
	_ =	sdelay $0x2  }
0x12b: {  	v3 =	vand.u32 $0xFFFF0000, v0  }
0x12c: {  	v0 =	vshll.u32 v0, $0x10;
	v4 =	vshll.u32 v1, $0x10;
	v1 =	vand.u32 $0xFFFF0000, v1  }
0x12d: {  	v0 =	vadd.f32 v4, v0;
	v1 =	vadd.f32 v1, v3  }
0x12e: {  	v3 =	vshll.u32 v2, $0x10;
	v2 =	vand.u32 $0xFFFF0000, v2  }
0x12f: {  	v0 =	vadd.f32 v3, v0;
	v1 =	vadd.f32 v2, v1;
	_ =	sdelay $0x1  }
0x130: {  	[tilespmem:s9+$0x420] =	vst v0  }
0x131: {  	[tilespmem:s9+$0x430] =	vst v1  }
0x132: {  	v0 =	vld [tilespmem:s7+$0x20]  }
0x133: {  	v1 =	vld [tilespmem:s6+$0xFFFFD7F0]  }
0x134: {  	v2 =	vld [tilespmem:s6+$0xFFFFFFF0];
	_ =	sdelay $0x2  }
.Ltmp0:
0x135: {  	v3 =	vand.u32 $0xFFFF0000, v0;
	(pc) =	sbr.rel @p1 .LBB2_3-.Ltmp0, $4  }
0x136: {  	v0 =	vshll.u32 v0, $0x10;
	v4 =	vshll.u32 v1, $0x10;
	v1 =	vand.u32 $0xFFFF0000, v1  }
0x137: {  	v0 =	vadd.f32 v4, v0;
	v3 =	vadd.f32 v1, v3  }
0x138: {  	v1 =	vshll.u32 v2, $0x10;
	v2 =	vand.u32 $0xFFFF0000, v2  }
0x139: {  	v1 =	vadd.f32 v1, v0;
	v0 =	vadd.f32 v2, v3  }
0x13a: {  	_ = 	snop  }
0x13b: {  	[tilespmem:s9+$0x440] =	vst v1  }
0x13c: {  	[tilespmem:s9+$0x450] =	vst v0  }
0x13d: {  	v0 =	vld [tilespmem:s10+$0x30]  }
0x13e: {  	v1 =	vld [tilespmem:s30+$0xFFFFD800];
	_ =	sdelay $0x1  }
0x13f: {  	v2 =	vld [tilespmem:s30+$0x0];
	_ =	sdelay $0x2  }
0x140: {  	v3 =	vshll.u32 v0, $0x10;
	v4 =	vshll.u32 v1, $0x10  }
0x141: {  	v0 =	vand.u32 $0xFFFF0000, v0;
	v1 =	vand.u32 $0xFFFF0000, v1;
	v3 =	vadd.f32 v4, v3  }
0x142: {  	p1 =	seq.s32 s0, $0xD;
	v63 =	vshll.u32 v2, $0x10;
	v0 =	vadd.f32 v1, v0  }
.Ltmp1:
0x143: {  	v2 =	vand.u32 $0xFFFF0000, v2;
	v1 =	vadd.f32 v63, v3;
	(pc) =	sbr.rel @p1 .LBB2_6-.Ltmp1, $4  }
0x144: {  	s1 =	sadd.s32 s3, s12;
	v0 =	vadd.f32 v2, v0  }
0x145: {  	s1 =	sshll.u32 s1, $0x5;
	[tilespmem:s9+$0x460] =	vst v1  }
0x146: {  	s1 =	sadd.s32 s5, s1;
	[tilespmem:s9+$0x470] =	vst v0  }
0x147: {  	[hbm4b:s1+s2] =	stream.linear.scatter [tilespmem:s25], [sflag:$0x5], $0x5000, $0x38;
	[tilespmem:$0x1AE00] =	vst v63  }
0x148: {  	v0 =	vld [tilespmem:s12+$0x9A0];
	_ =	sdelay $0x4  }
0x149: {  	vm0 =	vgt.s32 v0, $0x0  }
0x14a: {  	v0 =	vnsel vm0, $0x0, v0  }
0x14b: {  	v0 =	vmin.u32 v0, $0x3E7  }
0x14c: {  	[tilespmem:$0x1B00] =	vst v0  }
0x14d: {  	v0 =	vld [tilespmem:s12+$0x12A0];
	_ =	sdelay $0x4  }
0x14e: {  	vm14 =	vgt.s32 v0, $0x0  }
0x14f: {  	v0 =	vnsel vm14, $0x0, v0  }
0x150: {  	v0 =	vmin.u32 v0, $0x3B  }
0x151: {  	v0 =	vadd.s32 $0x3E8, v0  }
0x152: {  	[tilespmem:$0x1C00] =	vst v0  }
0x153: {  	v0 =	vld [tilespmem:s12+$0xA0];
	_ =	sdelay $0x4  }
0x154: {  	vm15 =	vgt.s32 v0, $0x0  }
0x155: {  	v0 =	vnsel vm15, $0x0, v0  }
0x156: {  	v0 =	vmin.u32 v0, $0x16D  }
0x157: {  	v0 =	vadd.s32 $0x428, v0  }
0x158: {  	[tilespmem:$0x1C50] =	vst v0  }
0x159: {  	v0 =	vld [tilespmem:s12+$0x9B0];
	_ =	sdelay $0x4  }
0x15a: {  	vm4 =	vgt.s32 v0, $0x0  }
0x15b: {  	v0 =	vnsel vm4, $0x0, v0  }
0x15c: {  	v0 =	vmin.u32 v0, $0x3E7  }
0x15d: {  	[tilespmem:$0x1B10] =	vst v0  }
0x15e: {  	v0 =	vld [tilespmem:s12+$0x12B0];
	_ =	sdelay $0x4  }
0x15f: {  	vm5 =	vgt.s32 v0, $0x0  }
0x160: {  	v0 =	vnsel vm5, $0x0, v0  }
0x161: {  	v0 =	vmin.u32 v0, $0x3B  }
0x162: {  	v0 =	vadd.s32 $0x3E8, v0  }
0x163: {  	[tilespmem:$0x1C10] =	vst v0  }
0x164: {  	v0 =	vld [tilespmem:s12+$0xB0];
	_ =	sdelay $0x4  }
0x165: {  	vm6 =	vgt.s32 v0, $0x0  }
0x166: {  	v0 =	vnsel vm6, $0x0, v0  }
0x167: {  	v0 =	vmin.u32 v0, $0x16D  }
0x168: {  	v0 =	vadd.s32 $0x428, v0  }
0x169: {  	[tilespmem:$0x1C60] =	vst v0  }
0x16a: {  	v0 =	vld [tilespmem:s12+$0x9C0];
	_ =	sdelay $0x4  }
0x16b: {  	vm7 =	vgt.s32 v0, $0x0  }
0x16c: {  	v0 =	vnsel vm7, $0x0, v0  }
0x16d: {  	v0 =	vmin.u32 v0, $0x3E7  }
0x16e: {  	[tilespmem:$0x1B20] =	vst v0  }
0x16f: {  	v0 =	vld [tilespmem:s12+$0x12C0];
	_ =	sdelay $0x4  }
0x170: {  	vm8 =	vgt.s32 v0, $0x0  }
0x171: {  	v0 =	vnsel vm8, $0x0, v0  }
0x172: {  	v0 =	vmin.u32 v0, $0x3B  }
0x173: {  	v0 =	vadd.s32 $0x3E8, v0  }
0x174: {  	[tilespmem:$0x1C20] =	vst v0  }
0x175: {  	v0 =	vld [tilespmem:s12+$0xC0];
	_ =	sdelay $0x4  }
0x176: {  	vm9 =	vgt.s32 v0, $0x0  }
0x177: {  	v0 =	vnsel vm9, $0x0, v0  }
0x178: {  	v0 =	vmin.u32 v0, $0x16D  }
0x179: {  	v0 =	vadd.s32 $0x428, v0  }
0x17a: {  	[tilespmem:$0x1C70] =	vst v0  }
0x17b: {  	v0 =	vld [tilespmem:s12+$0x9D0];
	_ =	sdelay $0x4  }
0x17c: {  	vm10 =	vgt.s32 v0, $0x0  }
0x17d: {  	v0 =	vnsel vm10, $0x0, v0  }
0x17e: {  	v0 =	vmin.u32 v0, $0x3E7  }
0x17f: {  	[tilespmem:$0x1B30] =	vst v0  }
0x180: {  	v0 =	vld [tilespmem:s12+$0x12D0];
	_ =	sdelay $0x4  }
0x181: {  	vm11 =	vgt.s32 v0, $0x0  }
0x182: {  	v0 =	vnsel vm11, $0x0, v0  }
0x183: {  	v0 =	vmin.u32 v0, $0x3B  }
0x184: {  	v0 =	vadd.s32 $0x3E8, v0  }
0x185: {  	[tilespmem:$0x1C30] =	vst v0  }
0x186: {  	v0 =	vld [tilespmem:s12+$0xD0];
	_ =	sdelay $0x4  }
0x187: {  	vm12 =	vgt.s32 v0, $0x0  }
0x188: {  	v0 =	vnsel vm12, $0x0, v0  }
0x189: {  	v0 =	vmin.u32 v0, $0x16D  }
0x18a: {  	v0 =	vadd.s32 $0x428, v0  }
0x18b: {  	[tilespmem:$0x1C80] =	vst v0  }
0x18c: {  	v0 =	vld [tilespmem:s12+$0x9E0];
	_ =	sdelay $0x4  }
0x18d: {  	vm13 =	vgt.s32 v0, $0x0  }
0x18e: {  	v0 =	vnsel vm13, $0x0, v0  }
0x18f: {  	v0 =	vmin.u32 v0, $0x3E7  }
0x190: {  	[tilespmem:$0x1B40] =	vst v0  }
0x191: {  	v0 =	vld [tilespmem:s12+$0x12E0];
	_ =	sdelay $0x4  }
0x192: {  	vm14 =	vgt.s32 v0, $0x0  }
0x193: {  	v0 =	vnsel vm14, $0x0, v0  }
0x194: {  	v0 =	vmin.u32 v0, $0x3B  }
0x195: {  	v0 =	vadd.s32 $0x3E8, v0  }
0x196: {  	[tilespmem:$0x1C40] =	vst v0  }
0x197: {  	v0 =	vld [tilespmem:s12+$0xE0];
	_ =	sdelay $0x4  }
0x198: {  	vm15 =	vgt.s32 v0, $0x0  }
0x199: {  	v0 =	vnsel vm15, $0x0, v0  }
0x19a: {  	v0 =	vmin.u32 v0, $0x16D  }
0x19b: {  	v0 =	vadd.s32 $0x428, v0  }
0x19c: {  	[tilespmem:$0x1C90] =	vst v0  }
0x19d: {  	[tilespmem:s15], [sflag:$0x1] =	stream.indirect.gather [hbm4b:s4+s13], $0x80, s14, s13, $0xb8;
	[tilespmem:$0x1AE00] =	vst v63  }
0x19e: {  	_ = 	snop  }
0x19f: {  	[tilespmem:s18], [sflag:$0x3] =	stream.indirect.gather [hbm4b:s4+s16], $0x80, s17, s16, $0xb8;
	[tilespmem:$0x1AE00] =	vst v63  }
.LBB2_6:
0x1a0: {  	_ =	swait.ge [sflag:s26], $0x2800  }
0x1a1: {  	[sflag:s26] =	ssyncset.done $0x0  }
0x1a2: {  	[sflag:s26] =	ssyncadd.s32 $0xFFFFD800  }
0x1a3: {  	_ =	swait.ge [sflag:s28], $0x5000  }
0x1a4: {  	[sflag:s28] =	ssyncset.done $0x0  }
0x1a5: {  	s1 =	simm.s32 @!p0 $0x6;
	[sflag:s28] =	ssyncadd.s32 $0xFFFFB000  }
0x1a6: {  	_ =	swait.ge @!p0 [sflag:s1], $0x5000  }
0x1a7: {  	[sflag:s1] =	ssyncset.done @!p0 $0x0  }
0x1a8: {  	s6 =	simm.s32 $0xE670;
	[sflag:s1] =	ssyncadd.s32 @!p0 $0xFFFFB000  }
0x1a9: {  	s7 =	simm.s32 $0x4640;
	v0 =	vld [tilespmem:s6+$0xFFFFD790]  }
0x1aa: {  	v1 =	vld [tilespmem:s7+$0xFFFFFFC0];
	_ =	sdelay $0x1  }
0x1ab: {  	v2 =	vld [tilespmem:s6+$0xFFFFFF90];
	_ =	sdelay $0x2  }
0x1ac: {  	v3 =	vshll.u32 v0, $0x10;
	v4 =	vshll.u32 v1, $0x10  }
0x1ad: {  	v0 =	vand.u32 $0xFFFF0000, v0;
	v1 =	vand.u32 $0xFFFF0000, v1;
	v3 =	vadd.f32 v3, v4  }
0x1ae: {  	s8 =	simm.s32 $0x0;
	v57 =	vshll.u32 v2, $0x10;
	v0 =	vadd.f32 v0, v1  }
0x1af: {  	s31 =	sand.u32 $0x7800, s8;
	s9 =	sand.u32 $0x380, s8;
	v1 =	vand.u32 $0xFFFF0000, v2;
	v2 =	vadd.f32 v57, v3  }
0x1b0: {  	s1 =	sor.u32 s9, s31;
	v0 =	vadd.f32 v1, v0  }
0x1b1: {  	s9 =	sadd.s32 $0x15E00, s1;
	[tilespmem:s1+$0x15E00] =	vst v2  }
0x1b2: {  	[tilespmem:s9+$0x10] =	vst v0  }
0x1b3: {  	v0 =	vld [tilespmem:s7+$0xFFFFFFD0]  }
0x1b4: {  	v1 =	vld [tilespmem:s6+$0xFFFFD7A0];
	_ =	sdelay $0x1  }
0x1b5: {  	v2 =	vld [tilespmem:s6+$0xFFFFFFA0];
	_ =	sdelay $0x2  }
0x1b6: {  	v3 =	vshll.u32 v0, $0x10;
	v58 =	vshll.u32 v1, $0x10  }
0x1b7: {  	v0 =	vand.u32 $0xFFFF0000, v0;
	v1 =	vand.u32 $0xFFFF0000, v1;
	v3 =	vadd.f32 v58, v3  }
0x1b8: {  	v0 =	vadd.f32 v1, v0;
	v1 =	vshll.u32 v2, $0x10  }
0x1b9: {  	v2 =	vand.u32 $0xFFFF0000, v2;
	v1 =	vadd.f32 v1, v3  }
0x1ba: {  	v0 =	vadd.f32 v2, v0  }
0x1bb: {  	[tilespmem:s9+$0x20] =	vst v1  }
0x1bc: {  	[tilespmem:s9+$0x30] =	vst v0  }
0x1bd: {  	v0 =	vld [tilespmem:s7+$0xFFFFFFE0]  }
0x1be: {  	v1 =	vld [tilespmem:s6+$0xFFFFD7B0];
	_ =	sdelay $0x1  }
0x1bf: {  	v2 =	vld [tilespmem:s6+$0xFFFFFFB0];
	_ =	sdelay $0x2  }
0x1c0: {  	v3 =	vshll.u32 v0, $0x10;
	v59 =	vshll.u32 v1, $0x10  }
0x1c1: {  	v0 =	vand.u32 $0xFFFF0000, v0;
	v1 =	vand.u32 $0xFFFF0000, v1;
	v3 =	vadd.f32 v59, v3  }
0x1c2: {  	v0 =	vadd.f32 v1, v0;
	v1 =	vshll.u32 v2, $0x10  }
0x1c3: {  	v2 =	vand.u32 $0xFFFF0000, v2;
	v1 =	vadd.f32 v1, v3  }
0x1c4: {  	v0 =	vadd.f32 v2, v0  }
0x1c5: {  	[tilespmem:s9+$0x40] =	vst v1  }
0x1c6: {  	[tilespmem:s9+$0x50] =	vst v0  }
0x1c7: {  	v0 =	vld [tilespmem:s7+$0xFFFFFFF0]  }
0x1c8: {  	v1 =	vld [tilespmem:s6+$0xFFFFD7C0];
	_ =	sdelay $0x1  }
0x1c9: {  	v2 =	vld [tilespmem:s6+$0xFFFFFFC0];
	_ =	sdelay $0x2  }
0x1ca: {  	v3 =	vshll.u32 v0, $0x10;
	v60 =	vshll.u32 v1, $0x10  }
0x1cb: {  	v0 =	vand.u32 $0xFFFF0000, v0;
	v1 =	vand.u32 $0xFFFF0000, v1;
	v3 =	vadd.f32 v60, v3  }
0x1cc: {  	v0 =	vadd.f32 v1, v0;
	v1 =	vshll.u32 v2, $0x10  }
0x1cd: {  	v2 =	vand.u32 $0xFFFF0000, v2;
	v1 =	vadd.f32 v1, v3  }
0x1ce: {  	v0 =	vadd.f32 v2, v0  }
0x1cf: {  	[tilespmem:s9+$0x60] =	vst v1  }
0x1d0: {  	[tilespmem:s9+$0x70] =	vst v0  }
0x1d1: {  	v0 =	vld [tilespmem:s7+$0x0]  }
0x1d2: {  	v1 =	vld [tilespmem:s6+$0xFFFFD7D0];
	_ =	sdelay $0x1  }
0x1d3: {  	v2 =	vld [tilespmem:s6+$0xFFFFFFD0];
	_ =	sdelay $0x2  }
0x1d4: {  	v3 =	vshll.u32 v0, $0x10;
	v61 =	vshll.u32 v1, $0x10  }
0x1d5: {  	v0 =	vand.u32 $0xFFFF0000, v0;
	v1 =	vand.u32 $0xFFFF0000, v1;
	v3 =	vadd.f32 v61, v3  }
0x1d6: {  	v0 =	vadd.f32 v1, v0;
	v1 =	vshll.u32 v2, $0x10  }
0x1d7: {  	v2 =	vand.u32 $0xFFFF0000, v2;
	v1 =	vadd.f32 v1, v3  }
0x1d8: {  	v0 =	vadd.f32 v2, v0  }
0x1d9: {  	[tilespmem:s9+$0x400] =	vst v1  }
0x1da: {  	[tilespmem:s9+$0x410] =	vst v0  }
0x1db: {  	v0 =	vld [tilespmem:s7+$0x10]  }
0x1dc: {  	v1 =	vld [tilespmem:s6+$0xFFFFD7E0];
	_ =	sdelay $0x1  }
0x1dd: {  	v2 =	vld [tilespmem:s6+$0xFFFFFFE0];
	_ =	sdelay $0x2  }
0x1de: {  	v3 =	vshll.u32 v0, $0x10;
	v62 =	vshll.u32 v1, $0x10  }
0x1df: {  	v0 =	vand.u32 $0xFFFF0000, v0;
	v1 =	vand.u32 $0xFFFF0000, v1;
	v3 =	vadd.f32 v62, v3  }
0x1e0: {  	v0 =	vadd.f32 v1, v0;
	v1 =	vshll.u32 v2, $0x10  }
0x1e1: {  	v2 =	vand.u32 $0xFFFF0000, v2;
	v1 =	vadd.f32 v1, v3  }
0x1e2: {  	v0 =	vadd.f32 v2, v0  }
0x1e3: {  	[tilespmem:s9+$0x420] =	vst v1  }
0x1e4: {  	[tilespmem:s9+$0x430] =	vst v0  }
0x1e5: {  	v0 =	vld [tilespmem:s7+$0x20]  }
0x1e6: {  	v1 =	vld [tilespmem:s6+$0xFFFFD7F0];
	_ =	sdelay $0x1  }
0x1e7: {  	v2 =	vld [tilespmem:s6+$0xFFFFFFF0];
	_ =	sdelay $0x1  }
0x1e8: {  	v3 =	vand.u32 $0xFFFF0000, v0  }
0x1e9: {  	v0 =	vshll.u32 v0, $0x10;
	v63 =	vshll.u32 v1, $0x10;
	v1 =	vand.u32 $0xFFFF0000, v1  }
0x1ea: {  	v0 =	vadd.f32 v63, v0;
	v3 =	vadd.f32 v1, v3  }
0x1eb: {  	v1 =	vshll.u32 v2, $0x10;
	v2 =	vand.u32 $0xFFFF0000, v2  }
0x1ec: {  	s30 =	simm.s32 $0x80;
	s10 =	simm.s32 $0x4640;
	s12 =	simm.s32 $0xE670;
	v1 =	vadd.f32 v1, v0;
	v0 =	vadd.f32 v2, v3  }
.LBB2_7:
0x1ed: {  	s8 =	sadd.s32 $0x100, s8;
	s6 =	sadd.s32 $0x80, s6;
	s7 =	sadd.s32 $0x80, s7  }
0x1ee: {  	p0 =	sne.s32 s30, $0x2780;
	s1 =	smov.u32 s30;
	s30 =	sadd.s32 $0x80, s30;
	[tilespmem:s9+$0x440] =	vst v1  }
0x1ef: {  	[tilespmem:s9+$0x450] =	vst v0  }
0x1f0: {  	v0 =	vld [tilespmem:s10+$0x30];
	s10 =	smov.u32 s7  }
0x1f1: {  	v1 =	vld [tilespmem:s12+$0xFFFFD800]  }
0x1f2: {  	v2 =	vld [tilespmem:s12+$0x0];
	s12 =	smov.u32 s6;
	_ =	sdelay $0x2  }
0x1f3: {  	v3 =	vand.u32 $0xFFFF0000, v0  }
0x1f4: {  	v0 =	vshll.u32 v0, $0x10;
	v4 =	vshll.u32 v1, $0x10;
	v1 =	vand.u32 $0xFFFF0000, v1  }
0x1f5: {  	v0 =	vadd.f32 v4, v0;
	v1 =	vadd.f32 v1, v3  }
0x1f6: {  	v3 =	vshll.u32 v2, $0x10;
	v2 =	vand.u32 $0xFFFF0000, v2  }
0x1f7: {  	v0 =	vadd.f32 v3, v0;
	v1 =	vadd.f32 v2, v1;
	_ =	sdelay $0x1  }
0x1f8: {  	[tilespmem:s9+$0x460] =	vst v0  }
0x1f9: {  	[tilespmem:s9+$0x470] =	vst v1  }
0x1fa: {  	v0 =	vld [tilespmem:s6+$0xFFFFD790]  }
0x1fb: {  	v1 =	vld [tilespmem:s7+$0xFFFFFFC0]  }
0x1fc: {  	v2 =	vld [tilespmem:s6+$0xFFFFFF90];
	_ =	sdelay $0x2  }
0x1fd: {  	v3 =	vshll.u32 v0, $0x10;
	v0 =	vand.u32 $0xFFFF0000, v0  }
0x1fe: {  	v4 =	vshll.u32 v1, $0x10;
	v1 =	vand.u32 $0xFFFF0000, v1  }
0x1ff: {  	v5 =	vshll.u32 v2, $0x10;
	v3 =	vadd.f32 v3, v4;
	v0 =	vadd.f32 v0, v1  }
0x200: {  	v1 =	vand.u32 $0xFFFF0000, v2  }
0x201: {  	s1 =	sand.u32 $0x380, s1;
	s9 =	sand.u32 $0x7800, s8;
	v2 =	vadd.f32 v5, v3;
	v0 =	vadd.f32 v1, v0  }
0x202: {  	s1 =	sor.u32 s1, s9  }
0x203: {  	s9 =	sadd.s32 $0x15E00, s1;
	[tilespmem:s1+$0x15E00] =	vst v2  }
0x204: {  	[tilespmem:s9+$0x10] =	vst v0  }
0x205: {  	v0 =	vld [tilespmem:s7+$0xFFFFFFD0]  }
0x206: {  	v1 =	vld [tilespmem:s6+$0xFFFFD7A0];
	_ =	sdelay $0x1  }
0x207: {  	v2 =	vld [tilespmem:s6+$0xFFFFFFA0];
	_ =	sdelay $0x1  }
0x208: {  	v3 =	vand.u32 $0xFFFF0000, v0  }
0x209: {  	v0 =	vshll.u32 v0, $0x10;
	v4 =	vshll.u32 v1, $0x10;
	v1 =	vand.u32 $0xFFFF0000, v1  }
0x20a: {  	v0 =	vadd.f32 v4, v0;
	v1 =	vadd.f32 v1, v3  }
0x20b: {  	v3 =	vshll.u32 v2, $0x10;
	v2 =	vand.u32 $0xFFFF0000, v2  }
0x20c: {  	v0 =	vadd.f32 v3, v0;
	v1 =	vadd.f32 v2, v1;
	_ =	sdelay $0x1  }
0x20d: {  	[tilespmem:s9+$0x20] =	vst v0  }
0x20e: {  	[tilespmem:s9+$0x30] =	vst v1  }
0x20f: {  	v0 =	vld [tilespmem:s7+$0xFFFFFFE0]  }
0x210: {  	v1 =	vld [tilespmem:s6+$0xFFFFD7B0];
	_ =	sdelay $0x1  }
0x211: {  	v2 =	vld [tilespmem:s6+$0xFFFFFFB0];
	_ =	sdelay $0x1  }
0x212: {  	v3 =	vand.u32 $0xFFFF0000, v0  }
0x213: {  	v0 =	vshll.u32 v0, $0x10;
	v4 =	vshll.u32 v1, $0x10;
	v1 =	vand.u32 $0xFFFF0000, v1  }
0x214: {  	v0 =	vadd.f32 v4, v0;
	v1 =	vadd.f32 v1, v3  }
0x215: {  	v3 =	vshll.u32 v2, $0x10;
	v2 =	vand.u32 $0xFFFF0000, v2  }
0x216: {  	v0 =	vadd.f32 v3, v0;
	v1 =	vadd.f32 v2, v1;
	_ =	sdelay $0x1  }
0x217: {  	[tilespmem:s9+$0x40] =	vst v0  }
0x218: {  	[tilespmem:s9+$0x50] =	vst v1  }
0x219: {  	v0 =	vld [tilespmem:s7+$0xFFFFFFF0]  }
0x21a: {  	v1 =	vld [tilespmem:s6+$0xFFFFD7C0]  }
0x21b: {  	v2 =	vld [tilespmem:s6+$0xFFFFFFC0];
	_ =	sdelay $0x2  }
0x21c: {  	v3 =	vand.u32 $0xFFFF0000, v0  }
0x21d: {  	v0 =	vshll.u32 v0, $0x10;
	v4 =	vshll.u32 v1, $0x10;
	v1 =	vand.u32 $0xFFFF0000, v1  }
0x21e: {  	v0 =	vadd.f32 v4, v0;
	v1 =	vadd.f32 v1, v3  }
0x21f: {  	v3 =	vshll.u32 v2, $0x10;
	v2 =	vand.u32 $0xFFFF0000, v2  }
0x220: {  	v0 =	vadd.f32 v3, v0;
	v1 =	vadd.f32 v2, v1;
	_ =	sdelay $0x1  }
0x221: {  	[tilespmem:s9+$0x60] =	vst v0  }
0x222: {  	[tilespmem:s9+$0x70] =	vst v1  }
0x223: {  	v0 =	vld [tilespmem:s7+$0x0]  }
0x224: {  	v1 =	vld [tilespmem:s6+$0xFFFFD7D0]  }
0x225: {  	v2 =	vld [tilespmem:s6+$0xFFFFFFD0];
	_ =	sdelay $0x2  }
0x226: {  	v3 =	vand.u32 $0xFFFF0000, v0  }
0x227: {  	v0 =	vshll.u32 v0, $0x10;
	v4 =	vshll.u32 v1, $0x10;
	v1 =	vand.u32 $0xFFFF0000, v1  }
0x228: {  	v0 =	vadd.f32 v4, v0;
	v1 =	vadd.f32 v1, v3  }
0x229: {  	v3 =	vshll.u32 v2, $0x10;
	v2 =	vand.u32 $0xFFFF0000, v2  }
0x22a: {  	v0 =	vadd.f32 v3, v0;
	v1 =	vadd.f32 v2, v1;
	_ =	sdelay $0x1  }
0x22b: {  	[tilespmem:s9+$0x400] =	vst v0  }
0x22c: {  	[tilespmem:s9+$0x410] =	vst v1  }
0x22d: {  	v0 =	vld [tilespmem:s7+$0x10]  }
0x22e: {  	v1 =	vld [tilespmem:s6+$0xFFFFD7E0]  }
0x22f: {  	v2 =	vld [tilespmem:s6+$0xFFFFFFE0];
	_ =	sdelay $0x2  }
0x230: {  	v3 =	vand.u32 $0xFFFF0000, v0  }
0x231: {  	v0 =	vshll.u32 v0, $0x10;
	v4 =	vshll.u32 v1, $0x10;
	v1 =	vand.u32 $0xFFFF0000, v1  }
0x232: {  	v0 =	vadd.f32 v4, v0;
	v1 =	vadd.f32 v1, v3  }
0x233: {  	v3 =	vshll.u32 v2, $0x10;
	v2 =	vand.u32 $0xFFFF0000, v2  }
0x234: {  	v0 =	vadd.f32 v3, v0;
	v1 =	vadd.f32 v2, v1;
	_ =	sdelay $0x1  }
0x235: {  	[tilespmem:s9+$0x420] =	vst v0  }
0x236: {  	[tilespmem:s9+$0x430] =	vst v1  }
0x237: {  	v0 =	vld [tilespmem:s7+$0x20]  }
0x238: {  	v1 =	vld [tilespmem:s6+$0xFFFFD7F0]  }
0x239: {  	v2 =	vld [tilespmem:s6+$0xFFFFFFF0];
	_ =	sdelay $0x2  }
.Ltmp2:
0x23a: {  	v3 =	vand.u32 $0xFFFF0000, v0;
	(pc) =	sbr.rel @p0 .LBB2_7-.Ltmp2, $4  }
0x23b: {  	v0 =	vshll.u32 v0, $0x10;
	v4 =	vshll.u32 v1, $0x10;
	v1 =	vand.u32 $0xFFFF0000, v1  }
0x23c: {  	v0 =	vadd.f32 v4, v0;
	v3 =	vadd.f32 v1, v3  }
0x23d: {  	v1 =	vshll.u32 v2, $0x10;
	v2 =	vand.u32 $0xFFFF0000, v2  }
0x23e: {  	v1 =	vadd.f32 v1, v0;
	v0 =	vadd.f32 v2, v3  }
0x23f: {  	_ = 	snop  }
0x240: {  	[tilespmem:s9+$0x440] =	vst v1  }
0x241: {  	[tilespmem:s9+$0x450] =	vst v0  }
0x242: {  	v0 =	vld [tilespmem:s10+$0x30]  }
0x243: {  	v1 =	vld [tilespmem:s12+$0xFFFFD800];
	_ =	sdelay $0x1  }
0x244: {  	v2 =	vld [tilespmem:s12+$0x0];
	_ =	sdelay $0x2  }
0x245: {  	v3 =	vshll.u32 v0, $0x10;
	v4 =	vshll.u32 v1, $0x10  }
0x246: {  	s0 =	sadd.s32 $0x1, s0;
	v0 =	vand.u32 $0xFFFF0000, v0;
	v1 =	vand.u32 $0xFFFF0000, v1;
	v3 =	vadd.f32 v4, v3  }
0x247: {  	p0 =	sne.s32 s0, $0xE;
	v63 =	vshll.u32 v2, $0x10;
	v0 =	vadd.f32 v1, v0  }
.Ltmp3:
0x248: {  	v2 =	vand.u32 $0xFFFF0000, v2;
	v1 =	vadd.f32 v63, v3;
	(pc) =	sbr.rel @p0 .LBB2_2-.Ltmp3, $4  }
0x249: {  	s1 =	sadd.s32 s3, s11;
	v0 =	vadd.f32 v2, v0  }
0x24a: {  	s1 =	sshll.u32 s1, $0x5;
	[tilespmem:s9+$0x460] =	vst v1  }
0x24b: {  	s1 =	sadd.s32 s5, s1;
	[tilespmem:s9+$0x470] =	vst v0  }
0x24c: {  	[hbm4b:s1+s2] =	stream.linear.scatter [tilespmem:s29], [sflag:$0x6], $0x5000, $0x38;
	[tilespmem:$0x1AE00] =	vst v63  }
0x24d: {  	s0 =	simm.s32 $0x5  }
0x24e: {  	_ =	swait.ge [sflag:s0], $0x5000  }
0x24f: {  	[sflag:s0] =	ssyncset.done $0x0  }
0x250: {  	s1 =	simm.s32 $0x6;
	[sflag:s0] =	ssyncadd.s32 $0xFFFFB000  }
0x251: {  	_ =	swait.ge [sflag:s1], $0x5000  }
0x252: {  	s6 =	rddreg [dreg:$0x6]  }
0x253: {  	s31 =	rddreg [dreg:$0x5];
	s6 =	sadd.s32 $0x1, s6  }
0x254: {  	p0 =	sne.s32 s6, s31  }
.Ltmp4:
0x255: {  	_ = 	snop;
	(pc) =	sbr.rel @p0 .LBB2_1-.Ltmp4, $3  }
0x256: {  	_ =	sdelay $0x1  }
0x257: {  	[sflag:s1] =	ssyncset.done $0x0  }
0x258: {  	[sflag:s1] =	ssyncadd.s32 $0xFFFFB000  }
0x259: {  	_ =	sfence.sel $0x180000  }
0x25a: {  	[bflag:$0x0] =	sbarrier.arrive $0xFFFF  }
0x25b: {  	_ =	strace $0x90000047  }
0x25c: {  	s0 =	stileid.u32;
	[bflag:$0x2] =	sbarrier.arrive $0xFFFF  }
0x25d: {  	p0 =	sne.s32 s0, $0x0;
	s0 =	rddreg [dreg:$0x1]  }
0x25e: {  	s0 =	sadd.s32 @!p0 $0x100000, s0  }
0x25f: {  	[sflag:s0] =	ssyncadd.tile.s32 @!p0 $0x1;
	_ =	shalt  }
.Lfunc_end2:
_tile_overlayer_lowered:
.L_overlay_start_2:
0x260: {  	(tag) =	ssettag $0x2  }
0x261: {  	s0 =	rddreg [dreg:$0x0];
	s2 =	stileid.u32  }
0x262: {  	s1 =	rddreg [dreg:$0x1];
	p0 =	sne.s32 s2, $0x0  }
0x263: {  	s3 =	rddreg [dreg:$0x2];
	[bflag:$0x3] =	sbarrier.arrive $0xFFFF;
	s2 =	simm.s32 @!p0 $0x1C07  }
0x264: {  	[timem:s3], [sflag:s2] =	dma.local @!p0 [hbm:s0], s1  }
0x265: {  	s0 =	simm.s32 @!p0 $0x7  }
0x266: {  	_ =	swait.ge @!p0 [sflag:s0], s1  }
0x267: {  	s1 =	ssub.s32 @!p0 $0x0, s1;
	[sflag:s0] =	ssyncset.done @!p0 $0x0  }
0x268: {  	[sflag:s0] =	ssyncadd.s32 @!p0 s1  }
0x269: {  	[bflag:$0x3] =	sbarrier.arrive $0xFFFF  }
0x26a: {  	_ =	shalt  }

</sc_bundles>
